<compile_context>
chip_gen: v7x
topology: tpu7x:2x2x1
jax: 0.10.2.dev20260603
libtpu: 0.0.44.dev20260713+nightly
codegen_flags: <defaults>
</compile_context>

<pallas_src>
import functools
import math

import jax
import jax.numpy as jnp
from jax import lax
from jax.experimental import pallas as pl
from jax.experimental.pallas import tpu as pltpu
from jax.experimental.pallas import tpu_sc as plsc

_SZ = 256
_A = 4
_Z = 4
_K = 9
_NITEMS = _K * _A * _SZ * _SZ
_ROWS = _NITEMS // 128
_NW = 32
_ROWS_PER_W = _ROWS // _NW
_CHUNK_ROWS = 8
_NCHUNK = _ROWS_PER_W // _CHUNK_ROWS
_HALF = (_SZ * _SZ) // 2
_R = 64


def _phase1_body(s_ref, b_ref, a_ref, w_ref, sig_ref, vals_ref, idx_ref):
    wmat = w_ref[0]
    sig = sig_ref[...]
    dec = [[None] * 3 for _ in range(2)]
    for dim in range(2):
        for di in range(3):
            s = s_ref[dim, di, 0]
            b = b_ref[dim, di, 0]
            a = a_ref[dim, di, 0]
            cc = jnp.sqrt((1.0 - s * s) + 1e-6)
            f = a * b / cc
            f = 2.0 * f / math.pi
            f = (f + 1.0) / 2.0
            dec[dim][di] = f * 255.0
    r = [[jnp.round(dec[dim][di]).astype(jnp.int32) for di in range(3)]
         for dim in range(2)]
    e = [[(r[dim][di].astype(jnp.float32) - dec[dim][1]) ** 2
          for di in range(3)] for dim in range(2)]
    for d0 in range(3):
        for d1 in range(3):
            k = d0 * 3 + d1
            src = jnp.sqrt(e[0][d0] + e[1][d1])
            srcv = 6.0 * (1.0 - 2.0 * src)
            wk = 1.0 / (1.0 + jnp.exp(-srcv))
            coeff = wmat * wk
            cil = jnp.broadcast_to(coeff[:, :, None],
                                   (_R, _SZ, _Z)).reshape(_R, _SZ * _Z)
            vals_ref[k, 0] = cil * sig
            ii = r[0][d0] * _SZ + r[1][d1]
            ii = jnp.clip(ii, 0, _SZ * _SZ - 1)
            idx_ref[0, k, 0] = jnp.where(ii < _HALF, ii, -1)
            idx_ref[1, k, 0] = jnp.where(ii >= _HALF, ii - _HALF, -1)


def _phase1(sin_a, cos_a, asn_a, w, sig_il):
    nb = _SZ // _R
    grid = (_A, nb)
    ang_spec = pl.BlockSpec((2, 3, 1, _R, _SZ), lambda a, rb: (0, 0, a, rb, 0))
    return pl.pallas_call(
        _phase1_body,
        grid=grid,
        in_specs=[
            ang_spec, ang_spec, ang_spec,
            pl.BlockSpec((1, _R, _SZ), lambda a, rb: (a, rb, 0)),
            pl.BlockSpec((_R, _SZ * _Z), lambda a, rb: (rb, 0)),
        ],
        out_specs=[
            pl.BlockSpec((_K, 1, _R, _SZ * _Z), lambda a, rb: (0, a, rb, 0)),
            pl.BlockSpec((2, _K, 1, _R, _SZ), lambda a, rb: (0, 0, a, rb, 0)),
        ],
        out_shape=[
            jax.ShapeDtypeStruct((_K, _A, _SZ, _SZ * _Z), jnp.float32),
            jax.ShapeDtypeStruct((2, _K, _A, _SZ, _SZ), jnp.int32),
        ],
    )(sin_a, cos_a, asn_a, w, sig_il)


def _phase2(idx_r, vals_r, zeros):
    mesh = plsc.VectorSubcoreMesh(core_axis_name="c", subcore_axis_name="s")

    @functools.partial(
        pl.kernel,
        out_type=jax.ShapeDtypeStruct((2, 2, _HALF, _Z), jnp.float32),
        mesh=mesh,
        compiler_params=pltpu.CompilerParams(use_tc_tiling_on_sc=False),
        scratch_types=[
            pltpu.VMEM((2, _CHUNK_ROWS, 128), jnp.int32),
            pltpu.VMEM((_CHUNK_ROWS, 128, _Z), jnp.float32),
            (pltpu.VMEM_SHARED @ mesh)((_HALF, _Z), jnp.float32),
            (pltpu.VMEM_SHARED @ mesh)((_HALF, _Z), jnp.float32),
        ],
    )
    def run(idx_h, vals_h, z_h, out_h, idxbuf, valbuf, acc_lo, acc_hi):
        ci = lax.axis_index("c")
        si = lax.axis_index("s")
        wid = si * 2 + ci
        seg = _HALF // 16
        pltpu.sync_copy(z_h.at[pl.ds(si * seg, seg)],
                        acc_lo.at[pl.ds(si * seg, seg)])
        pltpu.sync_copy(z_h.at[pl.ds(si * seg, seg)],
                        acc_hi.at[pl.ds(si * seg, seg)])
        plsc.subcore_barrier()
        row0 = wid * _ROWS_PER_W

        def chunk(it, carry):
            rr = row0 + it * _CHUNK_ROWS
            pltpu.sync_copy(idx_h.at[0, pl.ds(rr, _CHUNK_ROWS)], idxbuf.at[0])
            pltpu.sync_copy(idx_h.at[1, pl.ds(rr, _CHUNK_ROWS)], idxbuf.at[1])
            pltpu.sync_copy(vals_h.at[pl.ds(rr, _CHUNK_ROWS)], valbuf)
            for j in range(_CHUNK_ROWS):
                lo = plsc.Indices(idxbuf.at[0, j], ignored_value=-1)
                hi = plsc.Indices(idxbuf.at[1, j], ignored_value=-1)
                pltpu.sync_copy(valbuf.at[j], acc_lo.at[lo], add=True)
                pltpu.sync_copy(valbuf.at[j], acc_hi.at[hi], add=True)
            return carry

        lax.fori_loop(0, _NCHUNK, chunk, 0)
        plsc.subcore_barrier()
        pltpu.sync_copy(acc_lo.at[pl.ds(si * seg, seg)],
                        out_h.at[ci, 0, pl.ds(si * seg, seg)])
        pltpu.sync_copy(acc_hi.at[pl.ds(si * seg, seg)],
                        out_h.at[ci, 1, pl.ds(si * seg, seg)])

    return run(idx_r, vals_r, zeros)


def _phase3_body(p_ref, o_ref):
    o_ref[...] = p_ref[0, 0] + p_ref[1, 0]


def _phase3(partial):
    rb = 4096
    nb = _HALF // rb
    return pl.pallas_call(
        _phase3_body,
        grid=(2, nb),
        in_specs=[pl.BlockSpec((2, 1, rb, _Z), lambda h, i: (0, h, i, 0))],
        out_specs=pl.BlockSpec((rb, _Z), lambda h, i: (h * 8 + i, 0)),
        out_shape=jax.ShapeDtypeStruct((_SZ * _SZ, _Z), jnp.float32),
    )(partial)


def kernel(signal, W, coord0, coord1):
    sh = jnp.array([math.pi * d / (_SZ - 1) for d in (-1, 0, 1)],
                   dtype=jnp.float32)
    th0 = coord0[None] + sh[:, None, None, None]
    th1 = coord1[None] + sh[:, None, None, None]
    th = jnp.stack([th0, th1], axis=0)
    sin_a = jnp.sin(th)
    cos_a = jnp.cos(th)
    asn_a = jnp.arcsin(sin_a)
    sig_il = signal.transpose(1, 2, 0).reshape(_SZ, _SZ * _Z)

    vals, idx = _phase1(sin_a, cos_a, asn_a, W, sig_il)
    idx_r = idx.reshape(2, _ROWS, 128)
    vals_r = vals.reshape(_ROWS, 128, _Z)
    zeros = jnp.zeros((_HALF, _Z), jnp.float32)
    part = _phase2(idx_r, vals_r, zeros)
    comb = _phase3(part)
    return comb.T.reshape(_Z, _SZ, _SZ)

# --- scband reference (transcript-rebuilt; emitter-appended) ---
"""Pipeline reference for scband-axon-layer-84782654423695 (READ-ONLY COPY).

The authoritative reference and input builder live on the scoring server;
editing this copy changes nothing except your own understanding.
"""

import jax, jax.numpy as jnp
import numpy as np
import itertools

IN_SIZE = (256, 256)
OUT_SIZE = (256, 256)
NUM_SYN = 4
WW = 1
BATCH = 4
DISPS = list(itertools.product(range(-WW, WW + 1), repeat=len(OUT_SIZE)))


def to_decard_idx(angle, size):
    a = jnp.arcsin(jnp.sin(angle))
    b = jnp.cos(angle)
    c = (1.0 - jnp.sin(angle) ** 2 + 1e-06) ** 0.5
    f = a * b / c
    f = 2.0 * f / jnp.pi
    f = (f + 1.0) / 2.0
    return f * (size - 1)


def setup_inputs(seed: int = 0):
    key = jax.random.key(seed)
    k1, k2, k3, k4 = jax.random.split(key, 4)
    signal = jax.random.normal(k1, (BATCH,) + IN_SIZE, dtype=jnp.float32)
    W = jax.random.uniform(k2, (NUM_SYN,) + IN_SIZE, minval=-1.0, maxval=1.0, dtype=jnp.float32)
    coord0 = jax.random.uniform(k3, (NUM_SYN,) + IN_SIZE, dtype=jnp.float32) * np.pi
    coord1 = jax.random.uniform(k4, (NUM_SYN,) + IN_SIZE, dtype=jnp.float32) * np.pi
    return {"signal": signal, "W": W, "coord0": coord0, "coord1": coord1}


def reference(signal, W, coord0, coord1):
    Z = signal.shape[0]
    sig = jnp.einsum('ABC,ZBC->ZABC', W, signal)
    coords = [jnp.broadcast_to(c[None], (Z,) + c.shape) for c in (coord0, coord1)]
    batch_coord = jnp.broadcast_to(jnp.arange(Z, dtype=jnp.int32)[:, None, None, None], sig.shape)
    K = len(DISPS)
    var = []
    for dim in range(len(coords)):
        lst = []
        for delta in DISPS:
            delta_idx = coords[dim] + jnp.pi * delta[dim] / (OUT_SIZE[dim] - 1)
            dec = to_decard_idx(delta_idx, OUT_SIZE[dim])
            lst.append(jnp.round(dec).astype(jnp.int32))
        var.append(jnp.stack(lst, axis=-1))
    bc = jnp.broadcast_to(batch_coord[..., None], batch_coord.shape + (K,))
    sigK = jnp.broadcast_to(sig[..., None], sig.shape + (K,))
    # NOTE: original torch code reuses the leftover loop variable `dim`
    # (== last output dim) for the decard size in the src loop; replicated here.
    last_dim = len(coords) - 1
    src = None
    for count, (rd, idx) in enumerate(zip(var, coords)):
        idxK = jnp.broadcast_to(idx[..., None], idx.shape + (K,))
        dec = to_decard_idx(idxK, OUT_SIZE[last_dim])
        term = (rd.astype(jnp.float32) - dec) ** 2
        src = term if count == 0 else src + term
    src = jnp.sqrt(src)
    src = 6.0 * (WW - 2.0 * src) / WW
    src = 1.0 / (1.0 + jnp.exp(-src))
    sigK = sigK * src
    output = jnp.zeros((Z,) + OUT_SIZE, dtype=jnp.float32)
    output = output.at[bc, var[0], var[1]].add(sigK)
    return output

if __name__ == "__main__":
    import jax
    _d = setup_inputs()
    print(jax.jit(kernel)(*tuple(_d.values())))

</pallas_src>

<mosaic_0001>
#map = affine_map<(d0, d1) -> (0, 0, 0)>
#map1 = affine_map<(d0, d1) -> (0, 0)>
#map2 = affine_map<(d0, d1) -> (0, 0, 0, 0)>
module attributes {stable_mosaic.version = 14 : i64} {
  func.func @run(%arg0: i32, %arg1: i32, %arg2: memref<2x18432x128xi32, #tpu.memory_space<hbm>>, %arg3: memref<18432x128x4xf32, #tpu.memory_space<hbm>>, %arg4: memref<32768x4xf32, #tpu.memory_space<hbm>>, %arg5: memref<2x2x32768x4xf32, #tpu.memory_space<hbm>>, %arg6: memref<2x8x128xi32, #tpu.memory_space<vmem>>, %arg7: memref<8x128x4xf32, #tpu.memory_space<vmem>>, %arg8: memref<32768x4xf32, #tpu.memory_space<vmem_shared>>, %arg9: memref<32768x4xf32, #tpu.memory_space<vmem_shared>>) attributes {dimension_semantics = [#tpu.dimension_semantics<core_parallel>, #tpu.dimension_semantics<subcore_parallel>], iteration_bounds = array<i64: 2, 16>, scalar_prefetch = 0 : i64, scratch_operands = 4 : i64, tpu.core_type = #tpu.core_type<sc_vector_subcore>, window_params = [{transform_indices = #map}, {transform_indices = #map}, {transform_indices = #map1}, {transform_indices = #map2}]} {
    %mul3A = arith.constant 2 : i32
    %mul3A_0 = arith.muli %arg1, %mul3A : i32
    %add3A = arith.addi %mul3A_0, %arg0 : i32
    %mul3A_1 = arith.constant 2048 : i32
    %mul3A_2 = arith.muli %arg1, %mul3A_1 : i32
    %mul3A_3 = arith.constant 2048 : i32
    %mul3A_4 = arith.muli %arg1, %mul3A_3 : i32
    "tpu.region"() ({
      %run_scoped3A_26 = tpu.sem_alloc : memref<!tpu.dma_semaphore, #tpu.memory_space<semaphore_mem>>
      %dma_start3A = arith.constant 0 : i32
      %dma_start3A_27 = tpu.memref_slice %arg8[%mul3A_4, %dma_start3A] : memref<32768x4xf32, #tpu.memory_space<vmem_shared>> -> memref<2048x4xf32, #tpu.memory_space<vmem_shared>>
      %dma_start3A_28 = arith.constant 0 : i32
      %dma_start3A_29 = tpu.memref_slice %arg4[%mul3A_2, %dma_start3A_28] : memref<32768x4xf32, #tpu.memory_space<hbm>> -> memref<2048x4xf32, #tpu.memory_space<hbm>>
      tpu.enqueue_dma source(%dma_start3A_29 : memref<2048x4xf32, #tpu.memory_space<hbm>>) target(%dma_start3A_27 : memref<2048x4xf32, #tpu.memory_space<vmem_shared>>) target_semaphore(%run_scoped3A_26 : memref<!tpu.dma_semaphore, #tpu.memory_space<semaphore_mem>>)
      %dma_wait3A = arith.constant 0 : i32
      %dma_wait3A_30 = tpu.memref_slice %arg8[%mul3A_4, %dma_wait3A] : memref<32768x4xf32, #tpu.memory_space<vmem_shared>> -> memref<2048x4xf32, #tpu.memory_space<vmem_shared>>
      %dma_wait3A_31 = arith.constant 0 : i32
      %dma_wait3A_32 = tpu.memref_slice %arg4[%mul3A_2, %dma_wait3A_31] : memref<32768x4xf32, #tpu.memory_space<hbm>> -> memref<2048x4xf32, #tpu.memory_space<hbm>>
      tpu.wait_dma2 semaphore(%run_scoped3A_26 : memref<!tpu.dma_semaphore, #tpu.memory_space<semaphore_mem>>) src(%dma_wait3A_32 : memref<2048x4xf32, #tpu.memory_space<hbm>>) dst(%dma_wait3A_30 : memref<2048x4xf32, #tpu.memory_space<vmem_shared>>)
      tpu.yield
    }) : () -> ()
    %mul3A_5 = arith.constant 2048 : i32
    %mul3A_6 = arith.muli %arg1, %mul3A_5 : i32
    %mul3A_7 = arith.constant 2048 : i32
    %mul3A_8 = arith.muli %arg1, %mul3A_7 : i32
    "tpu.region"() ({
      %run_scoped3A_26 = tpu.sem_alloc : memref<!tpu.dma_semaphore, #tpu.memory_space<semaphore_mem>>
      %dma_start3A = arith.constant 0 : i32
      %dma_start3A_27 = tpu.memref_slice %arg9[%mul3A_8, %dma_start3A] : memref<32768x4xf32, #tpu.memory_space<vmem_shared>> -> memref<2048x4xf32, #tpu.memory_space<vmem_shared>>
      %dma_start3A_28 = arith.constant 0 : i32
      %dma_start3A_29 = tpu.memref_slice %arg4[%mul3A_6, %dma_start3A_28] : memref<32768x4xf32, #tpu.memory_space<hbm>> -> memref<2048x4xf32, #tpu.memory_space<hbm>>
      tpu.enqueue_dma source(%dma_start3A_29 : memref<2048x4xf32, #tpu.memory_space<hbm>>) target(%dma_start3A_27 : memref<2048x4xf32, #tpu.memory_space<vmem_shared>>) target_semaphore(%run_scoped3A_26 : memref<!tpu.dma_semaphore, #tpu.memory_space<semaphore_mem>>)
      %dma_wait3A = arith.constant 0 : i32
      %dma_wait3A_30 = tpu.memref_slice %arg9[%mul3A_8, %dma_wait3A] : memref<32768x4xf32, #tpu.memory_space<vmem_shared>> -> memref<2048x4xf32, #tpu.memory_space<vmem_shared>>
      %dma_wait3A_31 = arith.constant 0 : i32
      %dma_wait3A_32 = tpu.memref_slice %arg4[%mul3A_6, %dma_wait3A_31] : memref<32768x4xf32, #tpu.memory_space<hbm>> -> memref<2048x4xf32, #tpu.memory_space<hbm>>
      tpu.wait_dma2 semaphore(%run_scoped3A_26 : memref<!tpu.dma_semaphore, #tpu.memory_space<semaphore_mem>>) src(%dma_wait3A_32 : memref<2048x4xf32, #tpu.memory_space<hbm>>) dst(%dma_wait3A_30 : memref<2048x4xf32, #tpu.memory_space<vmem_shared>>)
      tpu.yield
    }) : () -> ()
    %barrier3A = arith.constant 0 : index
    tpu.barrier barrier_id(%barrier3A)
    %mul3A_9 = arith.constant 576 : i32
    %mul3A_10 = arith.muli %add3A, %mul3A_9 : i32
    %scan3A = arith.constant 0 : i32
    %scan3A_11 = arith.constant 0 : i32
    %scan3A_12 = arith.constant 72 : i32
    %scan3A_13 = arith.addi %scan3A_11, %scan3A_12 : i32
    %scan3A_14 = arith.constant 1 : i32
    scf.for %scan3A_26 = %scan3A_11 to %scan3A_13 step %scan3A_14  : i32 {
      %mul3A_27 = arith.constant 8 : i32
      %mul3A_28 = arith.muli %scan3A_26, %mul3A_27 : i32
      %add3A_29 = arith.addi %mul3A_10, %mul3A_28 : i32
      %run_scoped3A_30 = arith.constant 0 : i32
      %run_scoped3A_31 = arith.constant 0 : i32
      "tpu.region"() ({
        %run_scoped3A_82 = tpu.sem_alloc : memref<!tpu.dma_semaphore, #tpu.memory_space<semaphore_mem>>
        %dma_start3A = arith.constant 0 : i32
        %dma_start3A_83 = arith.constant 0 : i32
        %dma_start3A_84 = tpu.memref_slice %arg6[%run_scoped3A_31, %dma_start3A, %dma_start3A_83] : memref<2x8x128xi32, #tpu.memory_space<vmem>> -> memref<1x8x128xi32, #tpu.memory_space<vmem>>
        %dma_start3A_85 = tpu.memref_squeeze %dma_start3A_84 : memref<1x8x128xi32, #tpu.memory_space<vmem>> -> memref<8x128xi32, #tpu.memory_space<vmem>>
        %dma_start3A_86 = arith.constant 0 : i32
        %dma_start3A_87 = tpu.memref_slice %arg2[%run_scoped3A_30, %add3A_29, %dma_start3A_86] : memref<2x18432x128xi32, #tpu.memory_space<hbm>> -> memref<1x8x128xi32, #tpu.memory_space<hbm>>
        %dma_start3A_88 = tpu.memref_squeeze %dma_start3A_87 : memref<1x8x128xi32, #tpu.memory_space<hbm>> -> memref<8x128xi32, #tpu.memory_space<hbm>>
        %dma_start3A_89 = arith.constant 0 : i32
        %dma_start3A_90 = arith.constant 0 : i32
        %dma_start3A_91 = tpu.memref_slice %arg6[%run_scoped3A_31, %dma_start3A_89, %dma_start3A_90] : memref<2x8x128xi32, #tpu.memory_space<vmem>> -> memref<1x8x128xi32, #tpu.memory_space<vmem>>
        %dma_start3A_92 = tpu.memref_squeeze %dma_start3A_91 : memref<1x8x128xi32, #tpu.memory_space<vmem>> -> memref<8x128xi32, #tpu.memory_space<vmem>>
        %dma_start3A_93 = arith.constant 0 : i32
        %dma_start3A_94 = tpu.memref_slice %arg2[%run_scoped3A_30, %add3A_29, %dma_start3A_93] : memref<2x18432x128xi32, #tpu.memory_space<hbm>> -> memref<1x8x128xi32, #tpu.memory_space<hbm>>
        %dma_start3A_95 = tpu.memref_squeeze %dma_start3A_94 : memref<1x8x128xi32, #tpu.memory_space<hbm>> -> memref<8x128xi32, #tpu.memory_space<hbm>>
        tpu.enqueue_dma source(%dma_start3A_95 : memref<8x128xi32, #tpu.memory_space<hbm>>) target(%dma_start3A_92 : memref<8x128xi32, #tpu.memory_space<vmem>>) target_semaphore(%run_scoped3A_82 : memref<!tpu.dma_semaphore, #tpu.memory_space<semaphore_mem>>)
        %dma_wait3A = arith.constant 0 : i32
        %dma_wait3A_96 = arith.constant 0 : i32
        %dma_wait3A_97 = tpu.memref_slice %arg6[%run_scoped3A_31, %dma_wait3A, %dma_wait3A_96] : memref<2x8x128xi32, #tpu.memory_space<vmem>> -> memref<1x8x128xi32, #tpu.memory_space<vmem>>
        %dma_wait3A_98 = tpu.memref_squeeze %dma_wait3A_97 : memref<1x8x128xi32, #tpu.memory_space<vmem>> -> memref<8x128xi32, #tpu.memory_space<vmem>>
        %dma_wait3A_99 = arith.constant 0 : i32
        %dma_wait3A_100 = tpu.memref_slice %arg2[%run_scoped3A_30, %add3A_29, %dma_wait3A_99] : memref<2x18432x128xi32, #tpu.memory_space<hbm>> -> memref<1x8x128xi32, #tpu.memory_space<hbm>>
        %dma_wait3A_101 = tpu.memref_squeeze %dma_wait3A_100 : memref<1x8x128xi32, #tpu.memory_space<hbm>> -> memref<8x128xi32, #tpu.memory_space<hbm>>
        %dma_wait3A_102 = arith.constant 0 : i32
        %dma_wait3A_103 = arith.constant 0 : i32
        %dma_wait3A_104 = tpu.memref_slice %arg6[%run_scoped3A_31, %dma_wait3A_102, %dma_wait3A_103] : memref<2x8x128xi32, #tpu.memory_space<vmem>> -> memref<1x8x128xi32, #tpu.memory_space<vmem>>
        %dma_wait3A_105 = tpu.memref_squeeze %dma_wait3A_104 : memref<1x8x128xi32, #tpu.memory_space<vmem>> -> memref<8x128xi32, #tpu.memory_space<vmem>>
        %dma_wait3A_106 = arith.constant 0 : i32
        %dma_wait3A_107 = tpu.memref_slice %arg2[%run_scoped3A_30, %add3A_29, %dma_wait3A_106] : memref<2x18432x128xi32, #tpu.memory_space<hbm>> -> memref<1x8x128xi32, #tpu.memory_space<hbm>>
        %dma_wait3A_108 = tpu.memref_squeeze %dma_wait3A_107 : memref<1x8x128xi32, #tpu.memory_space<hbm>> -> memref<8x128xi32, #tpu.memory_space<hbm>>
        tpu.wait_dma2 semaphore(%run_scoped3A_82 : memref<!tpu.dma_semaphore, #tpu.memory_space<semaphore_mem>>) src(%dma_wait3A_108 : memref<8x128xi32, #tpu.memory_space<hbm>>) dst(%dma_wait3A_105 : memref<8x128xi32, #tpu.memory_space<vmem>>)
        tpu.yield
      }) : () -> ()
      %run_scoped3A_32 = arith.constant 1 : i32
      %run_scoped3A_33 = arith.constant 1 : i32
      "tpu.region"() ({
        %run_scoped3A_82 = tpu.sem_alloc : memref<!tpu.dma_semaphore, #tpu.memory_space<semaphore_mem>>
        %dma_start3A = arith.constant 0 : i32
        %dma_start3A_83 = arith.constant 0 : i32
        %dma_start3A_84 = tpu.memref_slice %arg6[%run_scoped3A_33, %dma_start3A, %dma_start3A_83] : memref<2x8x128xi32, #tpu.memory_space<vmem>> -> memref<1x8x128xi32, #tpu.memory_space<vmem>>
        %dma_start3A_85 = tpu.memref_squeeze %dma_start3A_84 : memref<1x8x128xi32, #tpu.memory_space<vmem>> -> memref<8x128xi32, #tpu.memory_space<vmem>>
        %dma_start3A_86 = arith.constant 0 : i32
        %dma_start3A_87 = tpu.memref_slice %arg2[%run_scoped3A_32, %add3A_29, %dma_start3A_86] : memref<2x18432x128xi32, #tpu.memory_space<hbm>> -> memref<1x8x128xi32, #tpu.memory_space<hbm>>
        %dma_start3A_88 = tpu.memref_squeeze %dma_start3A_87 : memref<1x8x128xi32, #tpu.memory_space<hbm>> -> memref<8x128xi32, #tpu.memory_space<hbm>>
        %dma_start3A_89 = arith.constant 0 : i32
        %dma_start3A_90 = arith.constant 0 : i32
        %dma_start3A_91 = tpu.memref_slice %arg6[%run_scoped3A_33, %dma_start3A_89, %dma_start3A_90] : memref<2x8x128xi32, #tpu.memory_space<vmem>> -> memref<1x8x128xi32, #tpu.memory_space<vmem>>
        %dma_start3A_92 = tpu.memref_squeeze %dma_start3A_91 : memref<1x8x128xi32, #tpu.memory_space<vmem>> -> memref<8x128xi32, #tpu.memory_space<vmem>>
        %dma_start3A_93 = arith.constant 0 : i32
        %dma_start3A_94 = tpu.memref_slice %arg2[%run_scoped3A_32, %add3A_29, %dma_start3A_93] : memref<2x18432x128xi32, #tpu.memory_space<hbm>> -> memref<1x8x128xi32, #tpu.memory_space<hbm>>
        %dma_start3A_95 = tpu.memref_squeeze %dma_start3A_94 : memref<1x8x128xi32, #tpu.memory_space<hbm>> -> memref<8x128xi32, #tpu.memory_space<hbm>>
        tpu.enqueue_dma source(%dma_start3A_95 : memref<8x128xi32, #tpu.memory_space<hbm>>) target(%dma_start3A_92 : memref<8x128xi32, #tpu.memory_space<vmem>>) target_semaphore(%run_scoped3A_82 : memref<!tpu.dma_semaphore, #tpu.memory_space<semaphore_mem>>)
        %dma_wait3A = arith.constant 0 : i32
        %dma_wait3A_96 = arith.constant 0 : i32
        %dma_wait3A_97 = tpu.memref_slice %arg6[%run_scoped3A_33, %dma_wait3A, %dma_wait3A_96] : memref<2x8x128xi32, #tpu.memory_space<vmem>> -> memref<1x8x128xi32, #tpu.memory_space<vmem>>
        %dma_wait3A_98 = tpu.memref_squeeze %dma_wait3A_97 : memref<1x8x128xi32, #tpu.memory_space<vmem>> -> memref<8x128xi32, #tpu.memory_space<vmem>>
        %dma_wait3A_99 = arith.constant 0 : i32
        %dma_wait3A_100 = tpu.memref_slice %arg2[%run_scoped3A_32, %add3A_29, %dma_wait3A_99] : memref<2x18432x128xi32, #tpu.memory_space<hbm>> -> memref<1x8x128xi32, #tpu.memory_space<hbm>>
        %dma_wait3A_101 = tpu.memref_squeeze %dma_wait3A_100 : memref<1x8x128xi32, #tpu.memory_space<hbm>> -> memref<8x128xi32, #tpu.memory_space<hbm>>
        %dma_wait3A_102 = arith.constant 0 : i32
        %dma_wait3A_103 = arith.constant 0 : i32
        %dma_wait3A_104 = tpu.memref_slice %arg6[%run_scoped3A_33, %dma_wait3A_102, %dma_wait3A_103] : memref<2x8x128xi32, #tpu.memory_space<vmem>> -> memref<1x8x128xi32, #tpu.memory_space<vmem>>
        %dma_wait3A_105 = tpu.memref_squeeze %dma_wait3A_104 : memref<1x8x128xi32, #tpu.memory_space<vmem>> -> memref<8x128xi32, #tpu.memory_space<vmem>>
        %dma_wait3A_106 = arith.constant 0 : i32
        %dma_wait3A_107 = tpu.memref_slice %arg2[%run_scoped3A_32, %add3A_29, %dma_wait3A_106] : memref<2x18432x128xi32, #tpu.memory_space<hbm>> -> memref<1x8x128xi32, #tpu.memory_space<hbm>>
        %dma_wait3A_108 = tpu.memref_squeeze %dma_wait3A_107 : memref<1x8x128xi32, #tpu.memory_space<hbm>> -> memref<8x128xi32, #tpu.memory_space<hbm>>
        tpu.wait_dma2 semaphore(%run_scoped3A_82 : memref<!tpu.dma_semaphore, #tpu.memory_space<semaphore_mem>>) src(%dma_wait3A_108 : memref<8x128xi32, #tpu.memory_space<hbm>>) dst(%dma_wait3A_105 : memref<8x128xi32, #tpu.memory_space<vmem>>)
        tpu.yield
      }) : () -> ()
      "tpu.region"() ({
        %run_scoped3A_82 = tpu.sem_alloc : memref<!tpu.dma_semaphore, #tpu.memory_space<semaphore_mem>>
        %dma_start3A = arith.constant 0 : i32
        %dma_start3A_83 = arith.constant 0 : i32
        %dma_start3A_84 = tpu.memref_slice %arg3[%add3A_29, %dma_start3A, %dma_start3A_83] : memref<18432x128x4xf32, #tpu.memory_space<hbm>> -> memref<8x128x4xf32, #tpu.memory_space<hbm>>
        %dma_start3A_85 = arith.constant 0 : i32
        %dma_start3A_86 = arith.constant 0 : i32
        %dma_start3A_87 = tpu.memref_slice %arg3[%add3A_29, %dma_start3A_85, %dma_start3A_86] : memref<18432x128x4xf32, #tpu.memory_space<hbm>> -> memref<8x128x4xf32, #tpu.memory_space<hbm>>
        tpu.enqueue_dma source(%dma_start3A_87 : memref<8x128x4xf32, #tpu.memory_space<hbm>>) target(%arg7 : memref<8x128x4xf32, #tpu.memory_space<vmem>>) target_semaphore(%run_scoped3A_82 : memref<!tpu.dma_semaphore, #tpu.memory_space<semaphore_mem>>)
        %dma_wait3A = arith.constant 0 : i32
        %dma_wait3A_88 = arith.constant 0 : i32
        %dma_wait3A_89 = tpu.memref_slice %arg3[%add3A_29, %dma_wait3A, %dma_wait3A_88] : memref<18432x128x4xf32, #tpu.memory_space<hbm>> -> memref<8x128x4xf32, #tpu.memory_space<hbm>>
        %dma_wait3A_90 = arith.constant 0 : i32
        %dma_wait3A_91 = arith.constant 0 : i32
        %dma_wait3A_92 = tpu.memref_slice %arg3[%add3A_29, %dma_wait3A_90, %dma_wait3A_91] : memref<18432x128x4xf32, #tpu.memory_space<hbm>> -> memref<8x128x4xf32, #tpu.memory_space<hbm>>
        tpu.wait_dma2 semaphore(%run_scoped3A_82 : memref<!tpu.dma_semaphore, #tpu.memory_space<semaphore_mem>>) src(%dma_wait3A_92 : memref<8x128x4xf32, #tpu.memory_space<hbm>>) dst(%arg7 : memref<8x128x4xf32, #tpu.memory_space<vmem>>)
        tpu.yield
      }) : () -> ()
      %run_scoped3A_34 = arith.constant 0 : i32
      %run_scoped3A_35 = arith.constant 0 : i32
      %run_scoped3A_36 = arith.constant 0 : i32
      "tpu.region"() ({
        %run_scoped3A_82 = tpu.sem_alloc : memref<!tpu.dma_semaphore, #tpu.memory_space<semaphore_mem>>
        %dma_start3A = arith.constant 0 : i32
        %dma_start3A_83 = arith.constant 0 : i32
        %dma_start3A_84 = tpu.memref_slice %arg7[%run_scoped3A_34, %dma_start3A, %dma_start3A_83] : memref<8x128x4xf32, #tpu.memory_space<vmem>> -> memref<1x128x4xf32, #tpu.memory_space<vmem>>
        %dma_start3A_85 = tpu.memref_squeeze %dma_start3A_84 : memref<1x128x4xf32, #tpu.memory_space<vmem>> -> memref<128x4xf32, #tpu.memory_space<vmem>>
        %dma_start3A_86 = arith.constant 0 : i32
        %dma_start3A_87 = tpu.memref_slice %arg6[%run_scoped3A_35, %run_scoped3A_36, %dma_start3A_86] : memref<2x8x128xi32, #tpu.memory_space<vmem>> -> memref<1x1x128xi32, #tpu.memory_space<vmem>>
        %dma_start3A_88 = tpu.memref_squeeze %dma_start3A_87 : memref<1x1x128xi32, #tpu.memory_space<vmem>> -> memref<128xi32, #tpu.memory_space<vmem>>
        %dma_start3A_89 = arith.constant 0 : i32
        %dma_start3A_90 = arith.constant 0 : i32
        %dma_start3A_91 = tpu.memref_slice %arg8[%dma_start3A_89, %dma_start3A_90] : memref<32768x4xf32, #tpu.memory_space<vmem_shared>> -> memref<32768x4xf32, #tpu.memory_space<vmem_shared>>
        %dma_start3A_92 = arith.constant -1 : i32
        tpu.enqueue_indirect_dma source(%dma_start3A_85 : memref<128x4xf32, #tpu.memory_space<vmem>>) target(%dma_start3A_91 : memref<32768x4xf32, #tpu.memory_space<vmem_shared>>) offsets(%dma_start3A_88 : memref<128xi32, #tpu.memory_space<vmem>>) offset_filter(%dma_start3A_92) semaphore(%run_scoped3A_82 : memref<!tpu.dma_semaphore, #tpu.memory_space<semaphore_mem>>) {add = true}
        %dma_wait3A = arith.constant 0 : i32
        %dma_wait3A_93 = arith.constant 0 : i32
        %dma_wait3A_94 = tpu.memref_slice %arg7[%run_scoped3A_34, %dma_wait3A, %dma_wait3A_93] : memref<8x128x4xf32, #tpu.memory_space<vmem>> -> memref<1x128x4xf32, #tpu.memory_space<vmem>>
        %dma_wait3A_95 = tpu.memref_squeeze %dma_wait3A_94 : memref<1x128x4xf32, #tpu.memory_space<vmem>> -> memref<128x4xf32, #tpu.memory_space<vmem>>
        %dma_wait3A_96 = arith.constant 0 : i32
        %dma_wait3A_97 = tpu.memref_slice %arg6[%run_scoped3A_35, %run_scoped3A_36, %dma_wait3A_96] : memref<2x8x128xi32, #tpu.memory_space<vmem>> -> memref<1x1x128xi32, #tpu.memory_space<vmem>>
        %dma_wait3A_98 = tpu.memref_squeeze %dma_wait3A_97 : memref<1x1x128xi32, #tpu.memory_space<vmem>> -> memref<128xi32, #tpu.memory_space<vmem>>
        %dma_wait3A_99 = arith.constant 0 : i32
        %dma_wait3A_100 = arith.constant 0 : i32
        %dma_wait3A_101 = tpu.memref_slice %arg8[%dma_wait3A_99, %dma_wait3A_100] : memref<32768x4xf32, #tpu.memory_space<vmem_shared>> -> memref<32768x4xf32, #tpu.memory_space<vmem_shared>>
        tpu.wait_indirect_dma semaphore(%run_scoped3A_82 : memref<!tpu.dma_semaphore, #tpu.memory_space<semaphore_mem>>) src(%dma_wait3A_95 : memref<128x4xf32, #tpu.memory_space<vmem>>) dst(%dma_wait3A_101 : memref<32768x4xf32, #tpu.memory_space<vmem_shared>>)
        tpu.yield
      }) : () -> ()
      %run_scoped3A_37 = arith.constant 0 : i32
      %run_scoped3A_38 = arith.constant 1 : i32
      %run_scoped3A_39 = arith.constant 0 : i32
      "tpu.region"() ({
        %run_scoped3A_82 = tpu.sem_alloc : memref<!tpu.dma_semaphore, #tpu.memory_space<semaphore_mem>>
        %dma_start3A = arith.constant 0 : i32
        %dma_start3A_83 = arith.constant 0 : i32
        %dma_start3A_84 = tpu.memref_slice %arg7[%run_scoped3A_37, %dma_start3A, %dma_start3A_83] : memref<8x128x4xf32, #tpu.memory_space<vmem>> -> memref<1x128x4xf32, #tpu.memory_space<vmem>>
        %dma_start3A_85 = tpu.memref_squeeze %dma_start3A_84 : memref<1x128x4xf32, #tpu.memory_space<vmem>> -> memref<128x4xf32, #tpu.memory_space<vmem>>
        %dma_start3A_86 = arith.constant 0 : i32
        %dma_start3A_87 = tpu.memref_slice %arg6[%run_scoped3A_38, %run_scoped3A_39, %dma_start3A_86] : memref<2x8x128xi32, #tpu.memory_space<vmem>> -> memref<1x1x128xi32, #tpu.memory_space<vmem>>
        %dma_start3A_88 = tpu.memref_squeeze %dma_start3A_87 : memref<1x1x128xi32, #tpu.memory_space<vmem>> -> memref<128xi32, #tpu.memory_space<vmem>>
        %dma_start3A_89 = arith.constant 0 : i32
        %dma_start3A_90 = arith.constant 0 : i32
        %dma_start3A_91 = tpu.memref_slice %arg9[%dma_start3A_89, %dma_start3A_90] : memref<32768x4xf32, #tpu.memory_space<vmem_shared>> -> memref<32768x4xf32, #tpu.memory_space<vmem_shared>>
        %dma_start3A_92 = arith.constant -1 : i32
        tpu.enqueue_indirect_dma source(%dma_start3A_85 : memref<128x4xf32, #tpu.memory_space<vmem>>) target(%dma_start3A_91 : memref<32768x4xf32, #tpu.memory_space<vmem_shared>>) offsets(%dma_start3A_88 : memref<128xi32, #tpu.memory_space<vmem>>) offset_filter(%dma_start3A_92) semaphore(%run_scoped3A_82 : memref<!tpu.dma_semaphore, #tpu.memory_space<semaphore_mem>>) {add = true}
        %dma_wait3A = arith.constant 0 : i32
        %dma_wait3A_93 = arith.constant 0 : i32
        %dma_wait3A_94 = tpu.memref_slice %arg7[%run_scoped3A_37, %dma_wait3A, %dma_wait3A_93] : memref<8x128x4xf32, #tpu.memory_space<vmem>> -> memref<1x128x4xf32, #tpu.memory_space<vmem>>
        %dma_wait3A_95 = tpu.memref_squeeze %dma_wait3A_94 : memref<1x128x4xf32, #tpu.memory_space<vmem>> -> memref<128x4xf32, #tpu.memory_space<vmem>>
        %dma_wait3A_96 = arith.constant 0 : i32
        %dma_wait3A_97 = tpu.memref_slice %arg6[%run_scoped3A_38, %run_scoped3A_39, %dma_wait3A_96] : memref<2x8x128xi32, #tpu.memory_space<vmem>> -> memref<1x1x128xi32, #tpu.memory_space<vmem>>
        %dma_wait3A_98 = tpu.memref_squeeze %dma_wait3A_97 : memref<1x1x128xi32, #tpu.memory_space<vmem>> -> memref<128xi32, #tpu.memory_space<vmem>>
        %dma_wait3A_99 = arith.constant 0 : i32
        %dma_wait3A_100 = arith.constant 0 : i32
        %dma_wait3A_101 = tpu.memref_slice %arg9[%dma_wait3A_99, %dma_wait3A_100] : memref<32768x4xf32, #tpu.memory_space<vmem_shared>> -> memref<32768x4xf32, #tpu.memory_space<vmem_shared>>
        tpu.wait_indirect_dma semaphore(%run_scoped3A_82 : memref<!tpu.dma_semaphore, #tpu.memory_space<semaphore_mem>>) src(%dma_wait3A_95 : memref<128x4xf32, #tpu.memory_space<vmem>>) dst(%dma_wait3A_101 : memref<32768x4xf32, #tpu.memory_space<vmem_shared>>)
        tpu.yield
      }) : () -> ()
      %run_scoped3A_40 = arith.constant 1 : i32
      %run_scoped3A_41 = arith.constant 0 : i32
      %run_scoped3A_42 = arith.constant 1 : i32
      "tpu.region"() ({
        %run_scoped3A_82 = tpu.sem_alloc : memref<!tpu.dma_semaphore, #tpu.memory_space<semaphore_mem>>
        %dma_start3A = arith.constant 0 : i32
        %dma_start3A_83 = arith.constant 0 : i32
        %dma_start3A_84 = tpu.memref_slice %arg7[%run_scoped3A_40, %dma_start3A, %dma_start3A_83] : memref<8x128x4xf32, #tpu.memory_space<vmem>> -> memref<1x128x4xf32, #tpu.memory_space<vmem>>
        %dma_start3A_85 = tpu.memref_squeeze %dma_start3A_84 : memref<1x128x4xf32, #tpu.memory_space<vmem>> -> memref<128x4xf32, #tpu.memory_space<vmem>>
        %dma_start3A_86 = arith.constant 0 : i32
        %dma_start3A_87 = tpu.memref_slice %arg6[%run_scoped3A_41, %run_scoped3A_42, %dma_start3A_86] : memref<2x8x128xi32, #tpu.memory_space<vmem>> -> memref<1x1x128xi32, #tpu.memory_space<vmem>>
        %dma_start3A_88 = tpu.memref_squeeze %dma_start3A_87 : memref<1x1x128xi32, #tpu.memory_space<vmem>> -> memref<128xi32, #tpu.memory_space<vmem>>
        %dma_start3A_89 = arith.constant 0 : i32
        %dma_start3A_90 = arith.constant 0 : i32
        %dma_start3A_91 = tpu.memref_slice %arg8[%dma_start3A_89, %dma_start3A_90] : memref<32768x4xf32, #tpu.memory_space<vmem_shared>> -> memref<32768x4xf32, #tpu.memory_space<vmem_shared>>
        %dma_start3A_92 = arith.constant -1 : i32
        tpu.enqueue_indirect_dma source(%dma_start3A_85 : memref<128x4xf32, #tpu.memory_space<vmem>>) target(%dma_start3A_91 : memref<32768x4xf32, #tpu.memory_space<vmem_shared>>) offsets(%dma_start3A_88 : memref<128xi32, #tpu.memory_space<vmem>>) offset_filter(%dma_start3A_92) semaphore(%run_scoped3A_82 : memref<!tpu.dma_semaphore, #tpu.memory_space<semaphore_mem>>) {add = true}
        %dma_wait3A = arith.constant 0 : i32
        %dma_wait3A_93 = arith.constant 0 : i32
        %dma_wait3A_94 = tpu.memref_slice %arg7[%run_scoped3A_40, %dma_wait3A, %dma_wait3A_93] : memref<8x128x4xf32, #tpu.memory_space<vmem>> -> memref<1x128x4xf32, #tpu.memory_space<vmem>>
        %dma_wait3A_95 = tpu.memref_squeeze %dma_wait3A_94 : memref<1x128x4xf32, #tpu.memory_space<vmem>> -> memref<128x4xf32, #tpu.memory_space<vmem>>
        %dma_wait3A_96 = arith.constant 0 : i32
        %dma_wait3A_97 = tpu.memref_slice %arg6[%run_scoped3A_41, %run_scoped3A_42, %dma_wait3A_96] : memref<2x8x128xi32, #tpu.memory_space<vmem>> -> memref<1x1x128xi32, #tpu.memory_space<vmem>>
        %dma_wait3A_98 = tpu.memref_squeeze %dma_wait3A_97 : memref<1x1x128xi32, #tpu.memory_space<vmem>> -> memref<128xi32, #tpu.memory_space<vmem>>
        %dma_wait3A_99 = arith.constant 0 : i32
        %dma_wait3A_100 = arith.constant 0 : i32
        %dma_wait3A_101 = tpu.memref_slice %arg8[%dma_wait3A_99, %dma_wait3A_100] : memref<32768x4xf32, #tpu.memory_space<vmem_shared>> -> memref<32768x4xf32, #tpu.memory_space<vmem_shared>>
        tpu.wait_indirect_dma semaphore(%run_scoped3A_82 : memref<!tpu.dma_semaphore, #tpu.memory_space<semaphore_mem>>) src(%dma_wait3A_95 : memref<128x4xf32, #tpu.memory_space<vmem>>) dst(%dma_wait3A_101 : memref<32768x4xf32, #tpu.memory_space<vmem_shared>>)
        tpu.yield
      }) : () -> ()
      %run_scoped3A_43 = arith.constant 1 : i32
      %run_scoped3A_44 = arith.constant 1 : i32
      %run_scoped3A_45 = arith.constant 1 : i32
      "tpu.region"() ({
        %run_scoped3A_82 = tpu.sem_alloc : memref<!tpu.dma_semaphore, #tpu.memory_space<semaphore_mem>>
        %dma_start3A = arith.constant 0 : i32
        %dma_start3A_83 = arith.constant 0 : i32
        %dma_start3A_84 = tpu.memref_slice %arg7[%run_scoped3A_43, %dma_start3A, %dma_start3A_83] : memref<8x128x4xf32, #tpu.memory_space<vmem>> -> memref<1x128x4xf32, #tpu.memory_space<vmem>>
        %dma_start3A_85 = tpu.memref_squeeze %dma_start3A_84 : memref<1x128x4xf32, #tpu.memory_space<vmem>> -> memref<128x4xf32, #tpu.memory_space<vmem>>
        %dma_start3A_86 = arith.constant 0 : i32
        %dma_start3A_87 = tpu.memref_slice %arg6[%run_scoped3A_44, %run_scoped3A_45, %dma_start3A_86] : memref<2x8x128xi32, #tpu.memory_space<vmem>> -> memref<1x1x128xi32, #tpu.memory_space<vmem>>
        %dma_start3A_88 = tpu.memref_squeeze %dma_start3A_87 : memref<1x1x128xi32, #tpu.memory_space<vmem>> -> memref<128xi32, #tpu.memory_space<vmem>>
        %dma_start3A_89 = arith.constant 0 : i32
        %dma_start3A_90 = arith.constant 0 : i32
        %dma_start3A_91 = tpu.memref_slice %arg9[%dma_start3A_89, %dma_start3A_90] : memref<32768x4xf32, #tpu.memory_space<vmem_shared>> -> memref<32768x4xf32, #tpu.memory_space<vmem_shared>>
        %dma_start3A_92 = arith.constant -1 : i32
        tpu.enqueue_indirect_dma source(%dma_start3A_85 : memref<128x4xf32, #tpu.memory_space<vmem>>) target(%dma_start3A_91 : memref<32768x4xf32, #tpu.memory_space<vmem_shared>>) offsets(%dma_start3A_88 : memref<128xi32, #tpu.memory_space<vmem>>) offset_filter(%dma_start3A_92) semaphore(%run_scoped3A_82 : memref<!tpu.dma_semaphore, #tpu.memory_space<semaphore_mem>>) {add = true}
        %dma_wait3A = arith.constant 0 : i32
        %dma_wait3A_93 = arith.constant 0 : i32
        %dma_wait3A_94 = tpu.memref_slice %arg7[%run_scoped3A_43, %dma_wait3A, %dma_wait3A_93] : memref<8x128x4xf32, #tpu.memory_space<vmem>> -> memref<1x128x4xf32, #tpu.memory_space<vmem>>
        %dma_wait3A_95 = tpu.memref_squeeze %dma_wait3A_94 : memref<1x128x4xf32, #tpu.memory_space<vmem>> -> memref<128x4xf32, #tpu.memory_space<vmem>>
        %dma_wait3A_96 = arith.constant 0 : i32
        %dma_wait3A_97 = tpu.memref_slice %arg6[%run_scoped3A_44, %run_scoped3A_45, %dma_wait3A_96] : memref<2x8x128xi32, #tpu.memory_space<vmem>> -> memref<1x1x128xi32, #tpu.memory_space<vmem>>
        %dma_wait3A_98 = tpu.memref_squeeze %dma_wait3A_97 : memref<1x1x128xi32, #tpu.memory_space<vmem>> -> memref<128xi32, #tpu.memory_space<vmem>>
        %dma_wait3A_99 = arith.constant 0 : i32
        %dma_wait3A_100 = arith.constant 0 : i32
        %dma_wait3A_101 = tpu.memref_slice %arg9[%dma_wait3A_99, %dma_wait3A_100] : memref<32768x4xf32, #tpu.memory_space<vmem_shared>> -> memref<32768x4xf32, #tpu.memory_space<vmem_shared>>
        tpu.wait_indirect_dma semaphore(%run_scoped3A_82 : memref<!tpu.dma_semaphore, #tpu.memory_space<semaphore_mem>>) src(%dma_wait3A_95 : memref<128x4xf32, #tpu.memory_space<vmem>>) dst(%dma_wait3A_101 : memref<32768x4xf32, #tpu.memory_space<vmem_shared>>)
        tpu.yield
      }) : () -> ()
      %run_scoped3A_46 = arith.constant 2 : i32
      %run_scoped3A_47 = arith.constant 0 : i32
      %run_scoped3A_48 = arith.constant 2 : i32
      "tpu.region"() ({
        %run_scoped3A_82 = tpu.sem_alloc : memref<!tpu.dma_semaphore, #tpu.memory_space<semaphore_mem>>
        %dma_start3A = arith.constant 0 : i32
        %dma_start3A_83 = arith.constant 0 : i32
        %dma_start3A_84 = tpu.memref_slice %arg7[%run_scoped3A_46, %dma_start3A, %dma_start3A_83] : memref<8x128x4xf32, #tpu.memory_space<vmem>> -> memref<1x128x4xf32, #tpu.memory_space<vmem>>
        %dma_start3A_85 = tpu.memref_squeeze %dma_start3A_84 : memref<1x128x4xf32, #tpu.memory_space<vmem>> -> memref<128x4xf32, #tpu.memory_space<vmem>>
        %dma_start3A_86 = arith.constant 0 : i32
        %dma_start3A_87 = tpu.memref_slice %arg6[%run_scoped3A_47, %run_scoped3A_48, %dma_start3A_86] : memref<2x8x128xi32, #tpu.memory_space<vmem>> -> memref<1x1x128xi32, #tpu.memory_space<vmem>>
        %dma_start3A_88 = tpu.memref_squeeze %dma_start3A_87 : memref<1x1x128xi32, #tpu.memory_space<vmem>> -> memref<128xi32, #tpu.memory_space<vmem>>
        %dma_start3A_89 = arith.constant 0 : i32
        %dma_start3A_90 = arith.constant 0 : i32
        %dma_start3A_91 = tpu.memref_slice %arg8[%dma_start3A_89, %dma_start3A_90] : memref<32768x4xf32, #tpu.memory_space<vmem_shared>> -> memref<32768x4xf32, #tpu.memory_space<vmem_shared>>
        %dma_start3A_92 = arith.constant -1 : i32
        tpu.enqueue_indirect_dma source(%dma_start3A_85 : memref<128x4xf32, #tpu.memory_space<vmem>>) target(%dma_start3A_91 : memref<32768x4xf32, #tpu.memory_space<vmem_shared>>) offsets(%dma_start3A_88 : memref<128xi32, #tpu.memory_space<vmem>>) offset_filter(%dma_start3A_92) semaphore(%run_scoped3A_82 : memref<!tpu.dma_semaphore, #tpu.memory_space<semaphore_mem>>) {add = true}
        %dma_wait3A = arith.constant 0 : i32
        %dma_wait3A_93 = arith.constant 0 : i32
        %dma_wait3A_94 = tpu.memref_slice %arg7[%run_scoped3A_46, %dma_wait3A, %dma_wait3A_93] : memref<8x128x4xf32, #tpu.memory_space<vmem>> -> memref<1x128x4xf32, #tpu.memory_space<vmem>>
        %dma_wait3A_95 = tpu.memref_squeeze %dma_wait3A_94 : memref<1x128x4xf32, #tpu.memory_space<vmem>> -> memref<128x4xf32, #tpu.memory_space<vmem>>
        %dma_wait3A_96 = arith.constant 0 : i32
        %dma_wait3A_97 = tpu.memref_slice %arg6[%run_scoped3A_47, %run_scoped3A_48, %dma_wait3A_96] : memref<2x8x128xi32, #tpu.memory_space<vmem>> -> memref<1x1x128xi32, #tpu.memory_space<vmem>>
        %dma_wait3A_98 = tpu.memref_squeeze %dma_wait3A_97 : memref<1x1x128xi32, #tpu.memory_space<vmem>> -> memref<128xi32, #tpu.memory_space<vmem>>
        %dma_wait3A_99 = arith.constant 0 : i32
        %dma_wait3A_100 = arith.constant 0 : i32
        %dma_wait3A_101 = tpu.memref_slice %arg8[%dma_wait3A_99, %dma_wait3A_100] : memref<32768x4xf32, #tpu.memory_space<vmem_shared>> -> memref<32768x4xf32, #tpu.memory_space<vmem_shared>>
        tpu.wait_indirect_dma semaphore(%run_scoped3A_82 : memref<!tpu.dma_semaphore, #tpu.memory_space<semaphore_mem>>) src(%dma_wait3A_95 : memref<128x4xf32, #tpu.memory_space<vmem>>) dst(%dma_wait3A_101 : memref<32768x4xf32, #tpu.memory_space<vmem_shared>>)
        tpu.yield
      }) : () -> ()
      %run_scoped3A_49 = arith.constant 2 : i32
      %run_scoped3A_50 = arith.constant 1 : i32
      %run_scoped3A_51 = arith.constant 2 : i32
      "tpu.region"() ({
        %run_scoped3A_82 = tpu.sem_alloc : memref<!tpu.dma_semaphore, #tpu.memory_space<semaphore_mem>>
        %dma_start3A = arith.constant 0 : i32
        %dma_start3A_83 = arith.constant 0 : i32
        %dma_start3A_84 = tpu.memref_slice %arg7[%run_scoped3A_49, %dma_start3A, %dma_start3A_83] : memref<8x128x4xf32, #tpu.memory_space<vmem>> -> memref<1x128x4xf32, #tpu.memory_space<vmem>>
        %dma_start3A_85 = tpu.memref_squeeze %dma_start3A_84 : memref<1x128x4xf32, #tpu.memory_space<vmem>> -> memref<128x4xf32, #tpu.memory_space<vmem>>
        %dma_start3A_86 = arith.constant 0 : i32
        %dma_start3A_87 = tpu.memref_slice %arg6[%run_scoped3A_50, %run_scoped3A_51, %dma_start3A_86] : memref<2x8x128xi32, #tpu.memory_space<vmem>> -> memref<1x1x128xi32, #tpu.memory_space<vmem>>
        %dma_start3A_88 = tpu.memref_squeeze %dma_start3A_87 : memref<1x1x128xi32, #tpu.memory_space<vmem>> -> memref<128xi32, #tpu.memory_space<vmem>>
        %dma_start3A_89 = arith.constant 0 : i32
        %dma_start3A_90 = arith.constant 0 : i32
        %dma_start3A_91 = tpu.memref_slice %arg9[%dma_start3A_89, %dma_start3A_90] : memref<32768x4xf32, #tpu.memory_space<vmem_shared>> -> memref<32768x4xf32, #tpu.memory_space<vmem_shared>>
        %dma_start3A_92 = arith.constant -1 : i32
        tpu.enqueue_indirect_dma source(%dma_start3A_85 : memref<128x4xf32, #tpu.memory_space<vmem>>) target(%dma_start3A_91 : memref<32768x4xf32, #tpu.memory_space<vmem_shared>>) offsets(%dma_start3A_88 : memref<128xi32, #tpu.memory_space<vmem>>) offset_filter(%dma_start3A_92) semaphore(%run_scoped3A_82 : memref<!tpu.dma_semaphore, #tpu.memory_space<semaphore_mem>>) {add = true}
        %dma_wait3A = arith.constant 0 : i32
        %dma_wait3A_93 = arith.constant 0 : i32
        %dma_wait3A_94 = tpu.memref_slice %arg7[%run_scoped3A_49, %dma_wait3A, %dma_wait3A_93] : memref<8x128x4xf32, #tpu.memory_space<vmem>> -> memref<1x128x4xf32, #tpu.memory_space<vmem>>
        %dma_wait3A_95 = tpu.memref_squeeze %dma_wait3A_94 : memref<1x128x4xf32, #tpu.memory_space<vmem>> -> memref<128x4xf32, #tpu.memory_space<vmem>>
        %dma_wait3A_96 = arith.constant 0 : i32
        %dma_wait3A_97 = tpu.memref_slice %arg6[%run_scoped3A_50, %run_scoped3A_51, %dma_wait3A_96] : memref<2x8x128xi32, #tpu.memory_space<vmem>> -> memref<1x1x128xi32, #tpu.memory_space<vmem>>
        %dma_wait3A_98 = tpu.memref_squeeze %dma_wait3A_97 : memref<1x1x128xi32, #tpu.memory_space<vmem>> -> memref<128xi32, #tpu.memory_space<vmem>>
        %dma_wait3A_99 = arith.constant 0 : i32
        %dma_wait3A_100 = arith.constant 0 : i32
        %dma_wait3A_101 = tpu.memref_slice %arg9[%dma_wait3A_99, %dma_wait3A_100] : memref<32768x4xf32, #tpu.memory_space<vmem_shared>> -> memref<32768x4xf32, #tpu.memory_space<vmem_shared>>
        tpu.wait_indirect_dma semaphore(%run_scoped3A_82 : memref<!tpu.dma_semaphore, #tpu.memory_space<semaphore_mem>>) src(%dma_wait3A_95 : memref<128x4xf32, #tpu.memory_space<vmem>>) dst(%dma_wait3A_101 : memref<32768x4xf32, #tpu.memory_space<vmem_shared>>)
        tpu.yield
      }) : () -> ()
      %run_scoped3A_52 = arith.constant 3 : i32
      %run_scoped3A_53 = arith.constant 0 : i32
      %run_scoped3A_54 = arith.constant 3 : i32
      "tpu.region"() ({
        %run_scoped3A_82 = tpu.sem_alloc : memref<!tpu.dma_semaphore, #tpu.memory_space<semaphore_mem>>
        %dma_start3A = arith.constant 0 : i32
        %dma_start3A_83 = arith.constant 0 : i32
        %dma_start3A_84 = tpu.memref_slice %arg7[%run_scoped3A_52, %dma_start3A, %dma_start3A_83] : memref<8x128x4xf32, #tpu.memory_space<vmem>> -> memref<1x128x4xf32, #tpu.memory_space<vmem>>
        %dma_start3A_85 = tpu.memref_squeeze %dma_start3A_84 : memref<1x128x4xf32, #tpu.memory_space<vmem>> -> memref<128x4xf32, #tpu.memory_space<vmem>>
        %dma_start3A_86 = arith.constant 0 : i32
        %dma_start3A_87 = tpu.memref_slice %arg6[%run_scoped3A_53, %run_scoped3A_54, %dma_start3A_86] : memref<2x8x128xi32, #tpu.memory_space<vmem>> -> memref<1x1x128xi32, #tpu.memory_space<vmem>>
        %dma_start3A_88 = tpu.memref_squeeze %dma_start3A_87 : memref<1x1x128xi32, #tpu.memory_space<vmem>> -> memref<128xi32, #tpu.memory_space<vmem>>
        %dma_start3A_89 = arith.constant 0 : i32
        %dma_start3A_90 = arith.constant 0 : i32
        %dma_start3A_91 = tpu.memref_slice %arg8[%dma_start3A_89, %dma_start3A_90] : memref<32768x4xf32, #tpu.memory_space<vmem_shared>> -> memref<32768x4xf32, #tpu.memory_space<vmem_shared>>
        %dma_start3A_92 = arith.constant -1 : i32
        tpu.enqueue_indirect_dma source(%dma_start3A_85 : memref<128x4xf32, #tpu.memory_space<vmem>>) target(%dma_start3A_91 : memref<32768x4xf32, #tpu.memory_space<vmem_shared>>) offsets(%dma_start3A_88 : memref<128xi32, #tpu.memory_space<vmem>>) offset_filter(%dma_start3A_92) semaphore(%run_scoped3A_82 : memref<!tpu.dma_semaphore, #tpu.memory_space<semaphore_mem>>) {add = true}
        %dma_wait3A = arith.constant 0 : i32
        %dma_wait3A_93 = arith.constant 0 : i32
        %dma_wait3A_94 = tpu.memref_slice %arg7[%run_scoped3A_52, %dma_wait3A, %dma_wait3A_93] : memref<8x128x4xf32, #tpu.memory_space<vmem>> -> memref<1x128x4xf32, #tpu.memory_space<vmem>>
        %dma_wait3A_95 = tpu.memref_squeeze %dma_wait3A_94 : memref<1x128x4xf32, #tpu.memory_space<vmem>> -> memref<128x4xf32, #tpu.memory_space<vmem>>
        %dma_wait3A_96 = arith.constant 0 : i32
        %dma_wait3A_97 = tpu.memref_slice %arg6[%run_scoped3A_53, %run_scoped3A_54, %dma_wait3A_96] : memref<2x8x128xi32, #tpu.memory_space<vmem>> -> memref<1x1x128xi32, #tpu.memory_space<vmem>>
        %dma_wait3A_98 = tpu.memref_squeeze %dma_wait3A_97 : memref<1x1x128xi32, #tpu.memory_space<vmem>> -> memref<128xi32, #tpu.memory_space<vmem>>
        %dma_wait3A_99 = arith.constant 0 : i32
        %dma_wait3A_100 = arith.constant 0 : i32
        %dma_wait3A_101 = tpu.memref_slice %arg8[%dma_wait3A_99, %dma_wait3A_100] : memref<32768x4xf32, #tpu.memory_space<vmem_shared>> -> memref<32768x4xf32, #tpu.memory_space<vmem_shared>>
        tpu.wait_indirect_dma semaphore(%run_scoped3A_82 : memref<!tpu.dma_semaphore, #tpu.memory_space<semaphore_mem>>) src(%dma_wait3A_95 : memref<128x4xf32, #tpu.memory_space<vmem>>) dst(%dma_wait3A_101 : memref<32768x4xf32, #tpu.memory_space<vmem_shared>>)
        tpu.yield
      }) : () -> ()
      %run_scoped3A_55 = arith.constant 3 : i32
      %run_scoped3A_56 = arith.constant 1 : i32
      %run_scoped3A_57 = arith.constant 3 : i32
      "tpu.region"() ({
        %run_scoped3A_82 = tpu.sem_alloc : memref<!tpu.dma_semaphore, #tpu.memory_space<semaphore_mem>>
        %dma_start3A = arith.constant 0 : i32
        %dma_start3A_83 = arith.constant 0 : i32
        %dma_start3A_84 = tpu.memref_slice %arg7[%run_scoped3A_55, %dma_start3A, %dma_start3A_83] : memref<8x128x4xf32, #tpu.memory_space<vmem>> -> memref<1x128x4xf32, #tpu.memory_space<vmem>>
        %dma_start3A_85 = tpu.memref_squeeze %dma_start3A_84 : memref<1x128x4xf32, #tpu.memory_space<vmem>> -> memref<128x4xf32, #tpu.memory_space<vmem>>
        %dma_start3A_86 = arith.constant 0 : i32
        %dma_start3A_87 = tpu.memref_slice %arg6[%run_scoped3A_56, %run_scoped3A_57, %dma_start3A_86] : memref<2x8x128xi32, #tpu.memory_space<vmem>> -> memref<1x1x128xi32, #tpu.memory_space<vmem>>
        %dma_start3A_88 = tpu.memref_squeeze %dma_start3A_87 : memref<1x1x128xi32, #tpu.memory_space<vmem>> -> memref<128xi32, #tpu.memory_space<vmem>>
        %dma_start3A_89 = arith.constant 0 : i32
        %dma_start3A_90 = arith.constant 0 : i32
        %dma_start3A_91 = tpu.memref_slice %arg9[%dma_start3A_89, %dma_start3A_90] : memref<32768x4xf32, #tpu.memory_space<vmem_shared>> -> memref<32768x4xf32, #tpu.memory_space<vmem_shared>>
        %dma_start3A_92 = arith.constant -1 : i32
        tpu.enqueue_indirect_dma source(%dma_start3A_85 : memref<128x4xf32, #tpu.memory_space<vmem>>) target(%dma_start3A_91 : memref<32768x4xf32, #tpu.memory_space<vmem_shared>>) offsets(%dma_start3A_88 : memref<128xi32, #tpu.memory_space<vmem>>) offset_filter(%dma_start3A_92) semaphore(%run_scoped3A_82 : memref<!tpu.dma_semaphore, #tpu.memory_space<semaphore_mem>>) {add = true}
        %dma_wait3A = arith.constant 0 : i32
        %dma_wait3A_93 = arith.constant 0 : i32
        %dma_wait3A_94 = tpu.memref_slice %arg7[%run_scoped3A_55, %dma_wait3A, %dma_wait3A_93] : memref<8x128x4xf32, #tpu.memory_space<vmem>> -> memref<1x128x4xf32, #tpu.memory_space<vmem>>
        %dma_wait3A_95 = tpu.memref_squeeze %dma_wait3A_94 : memref<1x128x4xf32, #tpu.memory_space<vmem>> -> memref<128x4xf32, #tpu.memory_space<vmem>>
        %dma_wait3A_96 = arith.constant 0 : i32
        %dma_wait3A_97 = tpu.memref_slice %arg6[%run_scoped3A_56, %run_scoped3A_57, %dma_wait3A_96] : memref<2x8x128xi32, #tpu.memory_space<vmem>> -> memref<1x1x128xi32, #tpu.memory_space<vmem>>
        %dma_wait3A_98 = tpu.memref_squeeze %dma_wait3A_97 : memref<1x1x128xi32, #tpu.memory_space<vmem>> -> memref<128xi32, #tpu.memory_space<vmem>>
        %dma_wait3A_99 = arith.constant 0 : i32
        %dma_wait3A_100 = arith.constant 0 : i32
        %dma_wait3A_101 = tpu.memref_slice %arg9[%dma_wait3A_99, %dma_wait3A_100] : memref<32768x4xf32, #tpu.memory_space<vmem_shared>> -> memref<32768x4xf32, #tpu.memory_space<vmem_shared>>
        tpu.wait_indirect_dma semaphore(%run_scoped3A_82 : memref<!tpu.dma_semaphore, #tpu.memory_space<semaphore_mem>>) src(%dma_wait3A_95 : memref<128x4xf32, #tpu.memory_space<vmem>>) dst(%dma_wait3A_101 : memref<32768x4xf32, #tpu.memory_space<vmem_shared>>)
        tpu.yield
      }) : () -> ()
      %run_scoped3A_58 = arith.constant 4 : i32
      %run_scoped3A_59 = arith.constant 0 : i32
      %run_scoped3A_60 = arith.constant 4 : i32
      "tpu.region"() ({
        %run_scoped3A_82 = tpu.sem_alloc : memref<!tpu.dma_semaphore, #tpu.memory_space<semaphore_mem>>
        %dma_start3A = arith.constant 0 : i32
        %dma_start3A_83 = arith.constant 0 : i32
        %dma_start3A_84 = tpu.memref_slice %arg7[%run_scoped3A_58, %dma_start3A, %dma_start3A_83] : memref<8x128x4xf32, #tpu.memory_space<vmem>> -> memref<1x128x4xf32, #tpu.memory_space<vmem>>
        %dma_start3A_85 = tpu.memref_squeeze %dma_start3A_84 : memref<1x128x4xf32, #tpu.memory_space<vmem>> -> memref<128x4xf32, #tpu.memory_space<vmem>>
        %dma_start3A_86 = arith.constant 0 : i32
        %dma_start3A_87 = tpu.memref_slice %arg6[%run_scoped3A_59, %run_scoped3A_60, %dma_start3A_86] : memref<2x8x128xi32, #tpu.memory_space<vmem>> -> memref<1x1x128xi32, #tpu.memory_space<vmem>>
        %dma_start3A_88 = tpu.memref_squeeze %dma_start3A_87 : memref<1x1x128xi32, #tpu.memory_space<vmem>> -> memref<128xi32, #tpu.memory_space<vmem>>
        %dma_start3A_89 = arith.constant 0 : i32
        %dma_start3A_90 = arith.constant 0 : i32
        %dma_start3A_91 = tpu.memref_slice %arg8[%dma_start3A_89, %dma_start3A_90] : memref<32768x4xf32, #tpu.memory_space<vmem_shared>> -> memref<32768x4xf32, #tpu.memory_space<vmem_shared>>
        %dma_start3A_92 = arith.constant -1 : i32
        tpu.enqueue_indirect_dma source(%dma_start3A_85 : memref<128x4xf32, #tpu.memory_space<vmem>>) target(%dma_start3A_91 : memref<32768x4xf32, #tpu.memory_space<vmem_shared>>) offsets(%dma_start3A_88 : memref<128xi32, #tpu.memory_space<vmem>>) offset_filter(%dma_start3A_92) semaphore(%run_scoped3A_82 : memref<!tpu.dma_semaphore, #tpu.memory_space<semaphore_mem>>) {add = true}
        %dma_wait3A = arith.constant 0 : i32
        %dma_wait3A_93 = arith.constant 0 : i32
        %dma_wait3A_94 = tpu.memref_slice %arg7[%run_scoped3A_58, %dma_wait3A, %dma_wait3A_93] : memref<8x128x4xf32, #tpu.memory_space<vmem>> -> memref<1x128x4xf32, #tpu.memory_space<vmem>>
        %dma_wait3A_95 = tpu.memref_squeeze %dma_wait3A_94 : memref<1x128x4xf32, #tpu.memory_space<vmem>> -> memref<128x4xf32, #tpu.memory_space<vmem>>
        %dma_wait3A_96 = arith.constant 0 : i32
        %dma_wait3A_97 = tpu.memref_slice %arg6[%run_scoped3A_59, %run_scoped3A_60, %dma_wait3A_96] : memref<2x8x128xi32, #tpu.memory_space<vmem>> -> memref<1x1x128xi32, #tpu.memory_space<vmem>>
        %dma_wait3A_98 = tpu.memref_squeeze %dma_wait3A_97 : memref<1x1x128xi32, #tpu.memory_space<vmem>> -> memref<128xi32, #tpu.memory_space<vmem>>
        %dma_wait3A_99 = arith.constant 0 : i32
        %dma_wait3A_100 = arith.constant 0 : i32
        %dma_wait3A_101 = tpu.memref_slice %arg8[%dma_wait3A_99, %dma_wait3A_100] : memref<32768x4xf32, #tpu.memory_space<vmem_shared>> -> memref<32768x4xf32, #tpu.memory_space<vmem_shared>>
        tpu.wait_indirect_dma semaphore(%run_scoped3A_82 : memref<!tpu.dma_semaphore, #tpu.memory_space<semaphore_mem>>) src(%dma_wait3A_95 : memref<128x4xf32, #tpu.memory_space<vmem>>) dst(%dma_wait3A_101 : memref<32768x4xf32, #tpu.memory_space<vmem_shared>>)
        tpu.yield
      }) : () -> ()
      %run_scoped3A_61 = arith.constant 4 : i32
      %run_scoped3A_62 = arith.constant 1 : i32
      %run_scoped3A_63 = arith.constant 4 : i32
      "tpu.region"() ({
        %run_scoped3A_82 = tpu.sem_alloc : memref<!tpu.dma_semaphore, #tpu.memory_space<semaphore_mem>>
        %dma_start3A = arith.constant 0 : i32
        %dma_start3A_83 = arith.constant 0 : i32
        %dma_start3A_84 = tpu.memref_slice %arg7[%run_scoped3A_61, %dma_start3A, %dma_start3A_83] : memref<8x128x4xf32, #tpu.memory_space<vmem>> -> memref<1x128x4xf32, #tpu.memory_space<vmem>>
        %dma_start3A_85 = tpu.memref_squeeze %dma_start3A_84 : memref<1x128x4xf32, #tpu.memory_space<vmem>> -> memref<128x4xf32, #tpu.memory_space<vmem>>
        %dma_start3A_86 = arith.constant 0 : i32
        %dma_start3A_87 = tpu.memref_slice %arg6[%run_scoped3A_62, %run_scoped3A_63, %dma_start3A_86] : memref<2x8x128xi32, #tpu.memory_space<vmem>> -> memref<1x1x128xi32, #tpu.memory_space<vmem>>
        %dma_start3A_88 = tpu.memref_squeeze %dma_start3A_87 : memref<1x1x128xi32, #tpu.memory_space<vmem>> -> memref<128xi32, #tpu.memory_space<vmem>>
        %dma_start3A_89 = arith.constant 0 : i32
        %dma_start3A_90 = arith.constant 0 : i32
        %dma_start3A_91 = tpu.memref_slice %arg9[%dma_start3A_89, %dma_start3A_90] : memref<32768x4xf32, #tpu.memory_space<vmem_shared>> -> memref<32768x4xf32, #tpu.memory_space<vmem_shared>>
        %dma_start3A_92 = arith.constant -1 : i32
        tpu.enqueue_indirect_dma source(%dma_start3A_85 : memref<128x4xf32, #tpu.memory_space<vmem>>) target(%dma_start3A_91 : memref<32768x4xf32, #tpu.memory_space<vmem_shared>>) offsets(%dma_start3A_88 : memref<128xi32, #tpu.memory_space<vmem>>) offset_filter(%dma_start3A_92) semaphore(%run_scoped3A_82 : memref<!tpu.dma_semaphore, #tpu.memory_space<semaphore_mem>>) {add = true}
        %dma_wait3A = arith.constant 0 : i32
        %dma_wait3A_93 = arith.constant 0 : i32
        %dma_wait3A_94 = tpu.memref_slice %arg7[%run_scoped3A_61, %dma_wait3A, %dma_wait3A_93] : memref<8x128x4xf32, #tpu.memory_space<vmem>> -> memref<1x128x4xf32, #tpu.memory_space<vmem>>
        %dma_wait3A_95 = tpu.memref_squeeze %dma_wait3A_94 : memref<1x128x4xf32, #tpu.memory_space<vmem>> -> memref<128x4xf32, #tpu.memory_space<vmem>>
        %dma_wait3A_96 = arith.constant 0 : i32
        %dma_wait3A_97 = tpu.memref_slice %arg6[%run_scoped3A_62, %run_scoped3A_63, %dma_wait3A_96] : memref<2x8x128xi32, #tpu.memory_space<vmem>> -> memref<1x1x128xi32, #tpu.memory_space<vmem>>
        %dma_wait3A_98 = tpu.memref_squeeze %dma_wait3A_97 : memref<1x1x128xi32, #tpu.memory_space<vmem>> -> memref<128xi32, #tpu.memory_space<vmem>>
        %dma_wait3A_99 = arith.constant 0 : i32
        %dma_wait3A_100 = arith.constant 0 : i32
        %dma_wait3A_101 = tpu.memref_slice %arg9[%dma_wait3A_99, %dma_wait3A_100] : memref<32768x4xf32, #tpu.memory_space<vmem_shared>> -> memref<32768x4xf32, #tpu.memory_space<vmem_shared>>
        tpu.wait_indirect_dma semaphore(%run_scoped3A_82 : memref<!tpu.dma_semaphore, #tpu.memory_space<semaphore_mem>>) src(%dma_wait3A_95 : memref<128x4xf32, #tpu.memory_space<vmem>>) dst(%dma_wait3A_101 : memref<32768x4xf32, #tpu.memory_space<vmem_shared>>)
        tpu.yield
      }) : () -> ()
      %run_scoped3A_64 = arith.constant 5 : i32
      %run_scoped3A_65 = arith.constant 0 : i32
      %run_scoped3A_66 = arith.constant 5 : i32
      "tpu.region"() ({
        %run_scoped3A_82 = tpu.sem_alloc : memref<!tpu.dma_semaphore, #tpu.memory_space<semaphore_mem>>
        %dma_start3A = arith.constant 0 : i32
        %dma_start3A_83 = arith.constant 0 : i32
        %dma_start3A_84 = tpu.memref_slice %arg7[%run_scoped3A_64, %dma_start3A, %dma_start3A_83] : memref<8x128x4xf32, #tpu.memory_space<vmem>> -> memref<1x128x4xf32, #tpu.memory_space<vmem>>
        %dma_start3A_85 = tpu.memref_squeeze %dma_start3A_84 : memref<1x128x4xf32, #tpu.memory_space<vmem>> -> memref<128x4xf32, #tpu.memory_space<vmem>>
        %dma_start3A_86 = arith.constant 0 : i32
        %dma_start3A_87 = tpu.memref_slice %arg6[%run_scoped3A_65, %run_scoped3A_66, %dma_start3A_86] : memref<2x8x128xi32, #tpu.memory_space<vmem>> -> memref<1x1x128xi32, #tpu.memory_space<vmem>>
        %dma_start3A_88 = tpu.memref_squeeze %dma_start3A_87 : memref<1x1x128xi32, #tpu.memory_space<vmem>> -> memref<128xi32, #tpu.memory_space<vmem>>
        %dma_start3A_89 = arith.constant 0 : i32
        %dma_start3A_90 = arith.constant 0 : i32
        %dma_start3A_91 = tpu.memref_slice %arg8[%dma_start3A_89, %dma_start3A_90] : memref<32768x4xf32, #tpu.memory_space<vmem_shared>> -> memref<32768x4xf32, #tpu.memory_space<vmem_shared>>
        %dma_start3A_92 = arith.constant -1 : i32
        tpu.enqueue_indirect_dma source(%dma_start3A_85 : memref<128x4xf32, #tpu.memory_space<vmem>>) target(%dma_start3A_91 : memref<32768x4xf32, #tpu.memory_space<vmem_shared>>) offsets(%dma_start3A_88 : memref<128xi32, #tpu.memory_space<vmem>>) offset_filter(%dma_start3A_92) semaphore(%run_scoped3A_82 : memref<!tpu.dma_semaphore, #tpu.memory_space<semaphore_mem>>) {add = true}
        %dma_wait3A = arith.constant 0 : i32
        %dma_wait3A_93 = arith.constant 0 : i32
        %dma_wait3A_94 = tpu.memref_slice %arg7[%run_scoped3A_64, %dma_wait3A, %dma_wait3A_93] : memref<8x128x4xf32, #tpu.memory_space<vmem>> -> memref<1x128x4xf32, #tpu.memory_space<vmem>>
        %dma_wait3A_95 = tpu.memref_squeeze %dma_wait3A_94 : memref<1x128x4xf32, #tpu.memory_space<vmem>> -> memref<128x4xf32, #tpu.memory_space<vmem>>
        %dma_wait3A_96 = arith.constant 0 : i32
        %dma_wait3A_97 = tpu.memref_slice %arg6[%run_scoped3A_65, %run_scoped3A_66, %dma_wait3A_96] : memref<2x8x128xi32, #tpu.memory_space<vmem>> -> memref<1x1x128xi32, #tpu.memory_space<vmem>>
        %dma_wait3A_98 = tpu.memref_squeeze %dma_wait3A_97 : memref<1x1x128xi32, #tpu.memory_space<vmem>> -> memref<128xi32, #tpu.memory_space<vmem>>
        %dma_wait3A_99 = arith.constant 0 : i32
        %dma_wait3A_100 = arith.constant 0 : i32
        %dma_wait3A_101 = tpu.memref_slice %arg8[%dma_wait3A_99, %dma_wait3A_100] : memref<32768x4xf32, #tpu.memory_space<vmem_shared>> -> memref<32768x4xf32, #tpu.memory_space<vmem_shared>>
        tpu.wait_indirect_dma semaphore(%run_scoped3A_82 : memref<!tpu.dma_semaphore, #tpu.memory_space<semaphore_mem>>) src(%dma_wait3A_95 : memref<128x4xf32, #tpu.memory_space<vmem>>) dst(%dma_wait3A_101 : memref<32768x4xf32, #tpu.memory_space<vmem_shared>>)
        tpu.yield
      }) : () -> ()
      %run_scoped3A_67 = arith.constant 5 : i32
      %run_scoped3A_68 = arith.constant 1 : i32
      %run_scoped3A_69 = arith.constant 5 : i32
      "tpu.region"() ({
        %run_scoped3A_82 = tpu.sem_alloc : memref<!tpu.dma_semaphore, #tpu.memory_space<semaphore_mem>>
        %dma_start3A = arith.constant 0 : i32
        %dma_start3A_83 = arith.constant 0 : i32
        %dma_start3A_84 = tpu.memref_slice %arg7[%run_scoped3A_67, %dma_start3A, %dma_start3A_83] : memref<8x128x4xf32, #tpu.memory_space<vmem>> -> memref<1x128x4xf32, #tpu.memory_space<vmem>>
        %dma_start3A_85 = tpu.memref_squeeze %dma_start3A_84 : memref<1x128x4xf32, #tpu.memory_space<vmem>> -> memref<128x4xf32, #tpu.memory_space<vmem>>
        %dma_start3A_86 = arith.constant 0 : i32
        %dma_start3A_87 = tpu.memref_slice %arg6[%run_scoped3A_68, %run_scoped3A_69, %dma_start3A_86] : memref<2x8x128xi32, #tpu.memory_space<vmem>> -> memref<1x1x128xi32, #tpu.memory_space<vmem>>
        %dma_start3A_88 = tpu.memref_squeeze %dma_start3A_87 : memref<1x1x128xi32, #tpu.memory_space<vmem>> -> memref<128xi32, #tpu.memory_space<vmem>>
        %dma_start3A_89 = arith.constant 0 : i32
        %dma_start3A_90 = arith.constant 0 : i32
        %dma_start3A_91 = tpu.memref_slice %arg9[%dma_start3A_89, %dma_start3A_90] : memref<32768x4xf32, #tpu.memory_space<vmem_shared>> -> memref<32768x4xf32, #tpu.memory_space<vmem_shared>>
        %dma_start3A_92 = arith.constant -1 : i32
        tpu.enqueue_indirect_dma source(%dma_start3A_85 : memref<128x4xf32, #tpu.memory_space<vmem>>) target(%dma_start3A_91 : memref<32768x4xf32, #tpu.memory_space<vmem_shared>>) offsets(%dma_start3A_88 : memref<128xi32, #tpu.memory_space<vmem>>) offset_filter(%dma_start3A_92) semaphore(%run_scoped3A_82 : memref<!tpu.dma_semaphore, #tpu.memory_space<semaphore_mem>>) {add = true}
        %dma_wait3A = arith.constant 0 : i32
        %dma_wait3A_93 = arith.constant 0 : i32
        %dma_wait3A_94 = tpu.memref_slice %arg7[%run_scoped3A_67, %dma_wait3A, %dma_wait3A_93] : memref<8x128x4xf32, #tpu.memory_space<vmem>> -> memref<1x128x4xf32, #tpu.memory_space<vmem>>
        %dma_wait3A_95 = tpu.memref_squeeze %dma_wait3A_94 : memref<1x128x4xf32, #tpu.memory_space<vmem>> -> memref<128x4xf32, #tpu.memory_space<vmem>>
        %dma_wait3A_96 = arith.constant 0 : i32
        %dma_wait3A_97 = tpu.memref_slice %arg6[%run_scoped3A_68, %run_scoped3A_69, %dma_wait3A_96] : memref<2x8x128xi32, #tpu.memory_space<vmem>> -> memref<1x1x128xi32, #tpu.memory_space<vmem>>
        %dma_wait3A_98 = tpu.memref_squeeze %dma_wait3A_97 : memref<1x1x128xi32, #tpu.memory_space<vmem>> -> memref<128xi32, #tpu.memory_space<vmem>>
        %dma_wait3A_99 = arith.constant 0 : i32
        %dma_wait3A_100 = arith.constant 0 : i32
        %dma_wait3A_101 = tpu.memref_slice %arg9[%dma_wait3A_99, %dma_wait3A_100] : memref<32768x4xf32, #tpu.memory_space<vmem_shared>> -> memref<32768x4xf32, #tpu.memory_space<vmem_shared>>
        tpu.wait_indirect_dma semaphore(%run_scoped3A_82 : memref<!tpu.dma_semaphore, #tpu.memory_space<semaphore_mem>>) src(%dma_wait3A_95 : memref<128x4xf32, #tpu.memory_space<vmem>>) dst(%dma_wait3A_101 : memref<32768x4xf32, #tpu.memory_space<vmem_shared>>)
        tpu.yield
      }) : () -> ()
      %run_scoped3A_70 = arith.constant 6 : i32
      %run_scoped3A_71 = arith.constant 0 : i32
      %run_scoped3A_72 = arith.constant 6 : i32
      "tpu.region"() ({
        %run_scoped3A_82 = tpu.sem_alloc : memref<!tpu.dma_semaphore, #tpu.memory_space<semaphore_mem>>
        %dma_start3A = arith.constant 0 : i32
        %dma_start3A_83 = arith.constant 0 : i32
        %dma_start3A_84 = tpu.memref_slice %arg7[%run_scoped3A_70, %dma_start3A, %dma_start3A_83] : memref<8x128x4xf32, #tpu.memory_space<vmem>> -> memref<1x128x4xf32, #tpu.memory_space<vmem>>
        %dma_start3A_85 = tpu.memref_squeeze %dma_start3A_84 : memref<1x128x4xf32, #tpu.memory_space<vmem>> -> memref<128x4xf32, #tpu.memory_space<vmem>>
        %dma_start3A_86 = arith.constant 0 : i32
        %dma_start3A_87 = tpu.memref_slice %arg6[%run_scoped3A_71, %run_scoped3A_72, %dma_start3A_86] : memref<2x8x128xi32, #tpu.memory_space<vmem>> -> memref<1x1x128xi32, #tpu.memory_space<vmem>>
        %dma_start3A_88 = tpu.memref_squeeze %dma_start3A_87 : memref<1x1x128xi32, #tpu.memory_space<vmem>> -> memref<128xi32, #tpu.memory_space<vmem>>
        %dma_start3A_89 = arith.constant 0 : i32
        %dma_start3A_90 = arith.constant 0 : i32
        %dma_start3A_91 = tpu.memref_slice %arg8[%dma_start3A_89, %dma_start3A_90] : memref<32768x4xf32, #tpu.memory_space<vmem_shared>> -> memref<32768x4xf32, #tpu.memory_space<vmem_shared>>
        %dma_start3A_92 = arith.constant -1 : i32
        tpu.enqueue_indirect_dma source(%dma_start3A_85 : memref<128x4xf32, #tpu.memory_space<vmem>>) target(%dma_start3A_91 : memref<32768x4xf32, #tpu.memory_space<vmem_shared>>) offsets(%dma_start3A_88 : memref<128xi32, #tpu.memory_space<vmem>>) offset_filter(%dma_start3A_92) semaphore(%run_scoped3A_82 : memref<!tpu.dma_semaphore, #tpu.memory_space<semaphore_mem>>) {add = true}
        %dma_wait3A = arith.constant 0 : i32
        %dma_wait3A_93 = arith.constant 0 : i32
        %dma_wait3A_94 = tpu.memref_slice %arg7[%run_scoped3A_70, %dma_wait3A, %dma_wait3A_93] : memref<8x128x4xf32, #tpu.memory_space<vmem>> -> memref<1x128x4xf32, #tpu.memory_space<vmem>>
        %dma_wait3A_95 = tpu.memref_squeeze %dma_wait3A_94 : memref<1x128x4xf32, #tpu.memory_space<vmem>> -> memref<128x4xf32, #tpu.memory_space<vmem>>
        %dma_wait3A_96 = arith.constant 0 : i32
        %dma_wait3A_97 = tpu.memref_slice %arg6[%run_scoped3A_71, %run_scoped3A_72, %dma_wait3A_96] : memref<2x8x128xi32, #tpu.memory_space<vmem>> -> memref<1x1x128xi32, #tpu.memory_space<vmem>>
        %dma_wait3A_98 = tpu.memref_squeeze %dma_wait3A_97 : memref<1x1x128xi32, #tpu.memory_space<vmem>> -> memref<128xi32, #tpu.memory_space<vmem>>
        %dma_wait3A_99 = arith.constant 0 : i32
        %dma_wait3A_100 = arith.constant 0 : i32
        %dma_wait3A_101 = tpu.memref_slice %arg8[%dma_wait3A_99, %dma_wait3A_100] : memref<32768x4xf32, #tpu.memory_space<vmem_shared>> -> memref<32768x4xf32, #tpu.memory_space<vmem_shared>>
        tpu.wait_indirect_dma semaphore(%run_scoped3A_82 : memref<!tpu.dma_semaphore, #tpu.memory_space<semaphore_mem>>) src(%dma_wait3A_95 : memref<128x4xf32, #tpu.memory_space<vmem>>) dst(%dma_wait3A_101 : memref<32768x4xf32, #tpu.memory_space<vmem_shared>>)
        tpu.yield
      }) : () -> ()
      %run_scoped3A_73 = arith.constant 6 : i32
      %run_scoped3A_74 = arith.constant 1 : i32
      %run_scoped3A_75 = arith.constant 6 : i32
      "tpu.region"() ({
        %run_scoped3A_82 = tpu.sem_alloc : memref<!tpu.dma_semaphore, #tpu.memory_space<semaphore_mem>>
        %dma_start3A = arith.constant 0 : i32
        %dma_start3A_83 = arith.constant 0 : i32
        %dma_start3A_84 = tpu.memref_slice %arg7[%run_scoped3A_73, %dma_start3A, %dma_start3A_83] : memref<8x128x4xf32, #tpu.memory_space<vmem>> -> memref<1x128x4xf32, #tpu.memory_space<vmem>>
        %dma_start3A_85 = tpu.memref_squeeze %dma_start3A_84 : memref<1x128x4xf32, #tpu.memory_space<vmem>> -> memref<128x4xf32, #tpu.memory_space<vmem>>
        %dma_start3A_86 = arith.constant 0 : i32
        %dma_start3A_87 = tpu.memref_slice %arg6[%run_scoped3A_74, %run_scoped3A_75, %dma_start3A_86] : memref<2x8x128xi32, #tpu.memory_space<vmem>> -> memref<1x1x128xi32, #tpu.memory_space<vmem>>
        %dma_start3A_88 = tpu.memref_squeeze %dma_start3A_87 : memref<1x1x128xi32, #tpu.memory_space<vmem>> -> memref<128xi32, #tpu.memory_space<vmem>>
        %dma_start3A_89 = arith.constant 0 : i32
        %dma_start3A_90 = arith.constant 0 : i32
        %dma_start3A_91 = tpu.memref_slice %arg9[%dma_start3A_89, %dma_start3A_90] : memref<32768x4xf32, #tpu.memory_space<vmem_shared>> -> memref<32768x4xf32, #tpu.memory_space<vmem_shared>>
        %dma_start3A_92 = arith.constant -1 : i32
        tpu.enqueue_indirect_dma source(%dma_start3A_85 : memref<128x4xf32, #tpu.memory_space<vmem>>) target(%dma_start3A_91 : memref<32768x4xf32, #tpu.memory_space<vmem_shared>>) offsets(%dma_start3A_88 : memref<128xi32, #tpu.memory_space<vmem>>) offset_filter(%dma_start3A_92) semaphore(%run_scoped3A_82 : memref<!tpu.dma_semaphore, #tpu.memory_space<semaphore_mem>>) {add = true}
        %dma_wait3A = arith.constant 0 : i32
        %dma_wait3A_93 = arith.constant 0 : i32
        %dma_wait3A_94 = tpu.memref_slice %arg7[%run_scoped3A_73, %dma_wait3A, %dma_wait3A_93] : memref<8x128x4xf32, #tpu.memory_space<vmem>> -> memref<1x128x4xf32, #tpu.memory_space<vmem>>
        %dma_wait3A_95 = tpu.memref_squeeze %dma_wait3A_94 : memref<1x128x4xf32, #tpu.memory_space<vmem>> -> memref<128x4xf32, #tpu.memory_space<vmem>>
        %dma_wait3A_96 = arith.constant 0 : i32
        %dma_wait3A_97 = tpu.memref_slice %arg6[%run_scoped3A_74, %run_scoped3A_75, %dma_wait3A_96] : memref<2x8x128xi32, #tpu.memory_space<vmem>> -> memref<1x1x128xi32, #tpu.memory_space<vmem>>
        %dma_wait3A_98 = tpu.memref_squeeze %dma_wait3A_97 : memref<1x1x128xi32, #tpu.memory_space<vmem>> -> memref<128xi32, #tpu.memory_space<vmem>>
        %dma_wait3A_99 = arith.constant 0 : i32
        %dma_wait3A_100 = arith.constant 0 : i32
        %dma_wait3A_101 = tpu.memref_slice %arg9[%dma_wait3A_99, %dma_wait3A_100] : memref<32768x4xf32, #tpu.memory_space<vmem_shared>> -> memref<32768x4xf32, #tpu.memory_space<vmem_shared>>
        tpu.wait_indirect_dma semaphore(%run_scoped3A_82 : memref<!tpu.dma_semaphore, #tpu.memory_space<semaphore_mem>>) src(%dma_wait3A_95 : memref<128x4xf32, #tpu.memory_space<vmem>>) dst(%dma_wait3A_101 : memref<32768x4xf32, #tpu.memory_space<vmem_shared>>)
        tpu.yield
      }) : () -> ()
      %run_scoped3A_76 = arith.constant 7 : i32
      %run_scoped3A_77 = arith.constant 0 : i32
      %run_scoped3A_78 = arith.constant 7 : i32
      "tpu.region"() ({
        %run_scoped3A_82 = tpu.sem_alloc : memref<!tpu.dma_semaphore, #tpu.memory_space<semaphore_mem>>
        %dma_start3A = arith.constant 0 : i32
        %dma_start3A_83 = arith.constant 0 : i32
        %dma_start3A_84 = tpu.memref_slice %arg7[%run_scoped3A_76, %dma_start3A, %dma_start3A_83] : memref<8x128x4xf32, #tpu.memory_space<vmem>> -> memref<1x128x4xf32, #tpu.memory_space<vmem>>
        %dma_start3A_85 = tpu.memref_squeeze %dma_start3A_84 : memref<1x128x4xf32, #tpu.memory_space<vmem>> -> memref<128x4xf32, #tpu.memory_space<vmem>>
        %dma_start3A_86 = arith.constant 0 : i32
        %dma_start3A_87 = tpu.memref_slice %arg6[%run_scoped3A_77, %run_scoped3A_78, %dma_start3A_86] : memref<2x8x128xi32, #tpu.memory_space<vmem>> -> memref<1x1x128xi32, #tpu.memory_space<vmem>>
        %dma_start3A_88 = tpu.memref_squeeze %dma_start3A_87 : memref<1x1x128xi32, #tpu.memory_space<vmem>> -> memref<128xi32, #tpu.memory_space<vmem>>
        %dma_start3A_89 = arith.constant 0 : i32
        %dma_start3A_90 = arith.constant 0 : i32
        %dma_start3A_91 = tpu.memref_slice %arg8[%dma_start3A_89, %dma_start3A_90] : memref<32768x4xf32, #tpu.memory_space<vmem_shared>> -> memref<32768x4xf32, #tpu.memory_space<vmem_shared>>
        %dma_start3A_92 = arith.constant -1 : i32
        tpu.enqueue_indirect_dma source(%dma_start3A_85 : memref<128x4xf32, #tpu.memory_space<vmem>>) target(%dma_start3A_91 : memref<32768x4xf32, #tpu.memory_space<vmem_shared>>) offsets(%dma_start3A_88 : memref<128xi32, #tpu.memory_space<vmem>>) offset_filter(%dma_start3A_92) semaphore(%run_scoped3A_82 : memref<!tpu.dma_semaphore, #tpu.memory_space<semaphore_mem>>) {add = true}
        %dma_wait3A = arith.constant 0 : i32
        %dma_wait3A_93 = arith.constant 0 : i32
        %dma_wait3A_94 = tpu.memref_slice %arg7[%run_scoped3A_76, %dma_wait3A, %dma_wait3A_93] : memref<8x128x4xf32, #tpu.memory_space<vmem>> -> memref<1x128x4xf32, #tpu.memory_space<vmem>>
        %dma_wait3A_95 = tpu.memref_squeeze %dma_wait3A_94 : memref<1x128x4xf32, #tpu.memory_space<vmem>> -> memref<128x4xf32, #tpu.memory_space<vmem>>
        %dma_wait3A_96 = arith.constant 0 : i32
        %dma_wait3A_97 = tpu.memref_slice %arg6[%run_scoped3A_77, %run_scoped3A_78, %dma_wait3A_96] : memref<2x8x128xi32, #tpu.memory_space<vmem>> -> memref<1x1x128xi32, #tpu.memory_space<vmem>>
        %dma_wait3A_98 = tpu.memref_squeeze %dma_wait3A_97 : memref<1x1x128xi32, #tpu.memory_space<vmem>> -> memref<128xi32, #tpu.memory_space<vmem>>
        %dma_wait3A_99 = arith.constant 0 : i32
        %dma_wait3A_100 = arith.constant 0 : i32
        %dma_wait3A_101 = tpu.memref_slice %arg8[%dma_wait3A_99, %dma_wait3A_100] : memref<32768x4xf32, #tpu.memory_space<vmem_shared>> -> memref<32768x4xf32, #tpu.memory_space<vmem_shared>>
        tpu.wait_indirect_dma semaphore(%run_scoped3A_82 : memref<!tpu.dma_semaphore, #tpu.memory_space<semaphore_mem>>) src(%dma_wait3A_95 : memref<128x4xf32, #tpu.memory_space<vmem>>) dst(%dma_wait3A_101 : memref<32768x4xf32, #tpu.memory_space<vmem_shared>>)
        tpu.yield
      }) : () -> ()
      %run_scoped3A_79 = arith.constant 7 : i32
      %run_scoped3A_80 = arith.constant 1 : i32
      %run_scoped3A_81 = arith.constant 7 : i32
      "tpu.region"() ({
        %run_scoped3A_82 = tpu.sem_alloc : memref<!tpu.dma_semaphore, #tpu.memory_space<semaphore_mem>>
        %dma_start3A = arith.constant 0 : i32
        %dma_start3A_83 = arith.constant 0 : i32
        %dma_start3A_84 = tpu.memref_slice %arg7[%run_scoped3A_79, %dma_start3A, %dma_start3A_83] : memref<8x128x4xf32, #tpu.memory_space<vmem>> -> memref<1x128x4xf32, #tpu.memory_space<vmem>>
        %dma_start3A_85 = tpu.memref_squeeze %dma_start3A_84 : memref<1x128x4xf32, #tpu.memory_space<vmem>> -> memref<128x4xf32, #tpu.memory_space<vmem>>
        %dma_start3A_86 = arith.constant 0 : i32
        %dma_start3A_87 = tpu.memref_slice %arg6[%run_scoped3A_80, %run_scoped3A_81, %dma_start3A_86] : memref<2x8x128xi32, #tpu.memory_space<vmem>> -> memref<1x1x128xi32, #tpu.memory_space<vmem>>
        %dma_start3A_88 = tpu.memref_squeeze %dma_start3A_87 : memref<1x1x128xi32, #tpu.memory_space<vmem>> -> memref<128xi32, #tpu.memory_space<vmem>>
        %dma_start3A_89 = arith.constant 0 : i32
        %dma_start3A_90 = arith.constant 0 : i32
        %dma_start3A_91 = tpu.memref_slice %arg9[%dma_start3A_89, %dma_start3A_90] : memref<32768x4xf32, #tpu.memory_space<vmem_shared>> -> memref<32768x4xf32, #tpu.memory_space<vmem_shared>>
        %dma_start3A_92 = arith.constant -1 : i32
        tpu.enqueue_indirect_dma source(%dma_start3A_85 : memref<128x4xf32, #tpu.memory_space<vmem>>) target(%dma_start3A_91 : memref<32768x4xf32, #tpu.memory_space<vmem_shared>>) offsets(%dma_start3A_88 : memref<128xi32, #tpu.memory_space<vmem>>) offset_filter(%dma_start3A_92) semaphore(%run_scoped3A_82 : memref<!tpu.dma_semaphore, #tpu.memory_space<semaphore_mem>>) {add = true}
        %dma_wait3A = arith.constant 0 : i32
        %dma_wait3A_93 = arith.constant 0 : i32
        %dma_wait3A_94 = tpu.memref_slice %arg7[%run_scoped3A_79, %dma_wait3A, %dma_wait3A_93] : memref<8x128x4xf32, #tpu.memory_space<vmem>> -> memref<1x128x4xf32, #tpu.memory_space<vmem>>
        %dma_wait3A_95 = tpu.memref_squeeze %dma_wait3A_94 : memref<1x128x4xf32, #tpu.memory_space<vmem>> -> memref<128x4xf32, #tpu.memory_space<vmem>>
        %dma_wait3A_96 = arith.constant 0 : i32
        %dma_wait3A_97 = tpu.memref_slice %arg6[%run_scoped3A_80, %run_scoped3A_81, %dma_wait3A_96] : memref<2x8x128xi32, #tpu.memory_space<vmem>> -> memref<1x1x128xi32, #tpu.memory_space<vmem>>
        %dma_wait3A_98 = tpu.memref_squeeze %dma_wait3A_97 : memref<1x1x128xi32, #tpu.memory_space<vmem>> -> memref<128xi32, #tpu.memory_space<vmem>>
        %dma_wait3A_99 = arith.constant 0 : i32
        %dma_wait3A_100 = arith.constant 0 : i32
        %dma_wait3A_101 = tpu.memref_slice %arg9[%dma_wait3A_99, %dma_wait3A_100] : memref<32768x4xf32, #tpu.memory_space<vmem_shared>> -> memref<32768x4xf32, #tpu.memory_space<vmem_shared>>
        tpu.wait_indirect_dma semaphore(%run_scoped3A_82 : memref<!tpu.dma_semaphore, #tpu.memory_space<semaphore_mem>>) src(%dma_wait3A_95 : memref<128x4xf32, #tpu.memory_space<vmem>>) dst(%dma_wait3A_101 : memref<32768x4xf32, #tpu.memory_space<vmem_shared>>)
        tpu.yield
      }) : () -> ()
    }
    %scan3A_15 = arith.constant 72 : i32
    %barrier3A_16 = arith.constant 0 : index
    tpu.barrier barrier_id(%barrier3A_16)
    %mul3A_17 = arith.constant 2048 : i32
    %mul3A_18 = arith.muli %arg1, %mul3A_17 : i32
    %mul3A_19 = arith.constant 2048 : i32
    %mul3A_20 = arith.muli %arg1, %mul3A_19 : i32
    %run_scoped3A = arith.constant 0 : i32
    "tpu.region"() ({
      %run_scoped3A_26 = tpu.sem_alloc : memref<!tpu.dma_semaphore, #tpu.memory_space<semaphore_mem>>
      %dma_start3A = arith.constant 0 : i32
      %dma_start3A_27 = tpu.memref_slice %arg5[%arg0, %run_scoped3A, %mul3A_20, %dma_start3A] : memref<2x2x32768x4xf32, #tpu.memory_space<hbm>> -> memref<1x1x2048x4xf32, #tpu.memory_space<hbm>>
      %dma_start3A_28 = tpu.memref_squeeze %dma_start3A_27 : memref<1x1x2048x4xf32, #tpu.memory_space<hbm>> -> memref<2048x4xf32, #tpu.memory_space<hbm>>
      %dma_start3A_29 = arith.constant 0 : i32
      %dma_start3A_30 = tpu.memref_slice %arg8[%mul3A_18, %dma_start3A_29] : memref<32768x4xf32, #tpu.memory_space<vmem_shared>> -> memref<2048x4xf32, #tpu.memory_space<vmem_shared>>
      tpu.enqueue_dma source(%dma_start3A_30 : memref<2048x4xf32, #tpu.memory_space<vmem_shared>>) target(%dma_start3A_28 : memref<2048x4xf32, #tpu.memory_space<hbm>>) target_semaphore(%run_scoped3A_26 : memref<!tpu.dma_semaphore, #tpu.memory_space<semaphore_mem>>)
      %dma_wait3A = arith.constant 0 : i32
      %dma_wait3A_31 = tpu.memref_slice %arg5[%arg0, %run_scoped3A, %mul3A_20, %dma_wait3A] : memref<2x2x32768x4xf32, #tpu.memory_space<hbm>> -> memref<1x1x2048x4xf32, #tpu.memory_space<hbm>>
      %dma_wait3A_32 = tpu.memref_squeeze %dma_wait3A_31 : memref<1x1x2048x4xf32, #tpu.memory_space<hbm>> -> memref<2048x4xf32, #tpu.memory_space<hbm>>
      %dma_wait3A_33 = arith.constant 0 : i32
      %dma_wait3A_34 = tpu.memref_slice %arg8[%mul3A_18, %dma_wait3A_33] : memref<32768x4xf32, #tpu.memory_space<vmem_shared>> -> memref<2048x4xf32, #tpu.memory_space<vmem_shared>>
      tpu.wait_dma2 semaphore(%run_scoped3A_26 : memref<!tpu.dma_semaphore, #tpu.memory_space<semaphore_mem>>) src(%dma_wait3A_34 : memref<2048x4xf32, #tpu.memory_space<vmem_shared>>) dst(%dma_wait3A_32 : memref<2048x4xf32, #tpu.memory_space<hbm>>)
      tpu.yield
    }) : () -> ()
    %mul3A_21 = arith.constant 2048 : i32
    %mul3A_22 = arith.muli %arg1, %mul3A_21 : i32
    %mul3A_23 = arith.constant 2048 : i32
    %mul3A_24 = arith.muli %arg1, %mul3A_23 : i32
    %run_scoped3A_25 = arith.constant 1 : i32
    "tpu.region"() ({
      %run_scoped3A_26 = tpu.sem_alloc : memref<!tpu.dma_semaphore, #tpu.memory_space<semaphore_mem>>
      %dma_start3A = arith.constant 0 : i32
      %dma_start3A_27 = tpu.memref_slice %arg5[%arg0, %run_scoped3A_25, %mul3A_24, %dma_start3A] : memref<2x2x32768x4xf32, #tpu.memory_space<hbm>> -> memref<1x1x2048x4xf32, #tpu.memory_space<hbm>>
      %dma_start3A_28 = tpu.memref_squeeze %dma_start3A_27 : memref<1x1x2048x4xf32, #tpu.memory_space<hbm>> -> memref<2048x4xf32, #tpu.memory_space<hbm>>
      %dma_start3A_29 = arith.constant 0 : i32
      %dma_start3A_30 = tpu.memref_slice %arg9[%mul3A_22, %dma_start3A_29] : memref<32768x4xf32, #tpu.memory_space<vmem_shared>> -> memref<2048x4xf32, #tpu.memory_space<vmem_shared>>
      tpu.enqueue_dma source(%dma_start3A_30 : memref<2048x4xf32, #tpu.memory_space<vmem_shared>>) target(%dma_start3A_28 : memref<2048x4xf32, #tpu.memory_space<hbm>>) target_semaphore(%run_scoped3A_26 : memref<!tpu.dma_semaphore, #tpu.memory_space<semaphore_mem>>)
      %dma_wait3A = arith.constant 0 : i32
      %dma_wait3A_31 = tpu.memref_slice %arg5[%arg0, %run_scoped3A_25, %mul3A_24, %dma_wait3A] : memref<2x2x32768x4xf32, #tpu.memory_space<hbm>> -> memref<1x1x2048x4xf32, #tpu.memory_space<hbm>>
      %dma_wait3A_32 = tpu.memref_squeeze %dma_wait3A_31 : memref<1x1x2048x4xf32, #tpu.memory_space<hbm>> -> memref<2048x4xf32, #tpu.memory_space<hbm>>
      %dma_wait3A_33 = arith.constant 0 : i32
      %dma_wait3A_34 = tpu.memref_slice %arg9[%mul3A_22, %dma_wait3A_33] : memref<32768x4xf32, #tpu.memory_space<vmem_shared>> -> memref<2048x4xf32, #tpu.memory_space<vmem_shared>>
      tpu.wait_dma2 semaphore(%run_scoped3A_26 : memref<!tpu.dma_semaphore, #tpu.memory_space<semaphore_mem>>) src(%dma_wait3A_34 : memref<2048x4xf32, #tpu.memory_space<vmem_shared>>) dst(%dma_wait3A_32 : memref<2048x4xf32, #tpu.memory_space<hbm>>)
      tpu.yield
    }) : () -> ()
    return
  }
}

module attributes {stable_mosaic.version = 14 : i64} {
  func.func @_phase1_body(%arg0: i32, %arg1: i32, %arg2: memref<2x3x1x64x256xf32, #tpu.memory_space<vmem>>, %arg3: memref<2x3x1x64x256xf32, #tpu.memory_space<vmem>>, %arg4: memref<2x3x1x64x256xf32, #tpu.memory_space<vmem>>, %arg5: memref<1x64x256xf32, #tpu.memory_space<vmem>>, %arg6: memref<64x1024xf32, #tpu.memory_space<vmem>>, %arg7: memref<9x1x64x1024xf32, #tpu.memory_space<vmem>>, %arg8: memref<2x9x1x64x256xi32, #tpu.memory_space<vmem>>) attributes {dimension_semantics = [#tpu.dimension_semantics<arbitrary>, #tpu.dimension_semantics<arbitrary>], iteration_bounds = array<i64: 4, 4>, scalar_prefetch = 0 : i64, scratch_operands = 0 : i64, tpu.core_type = #tpu.core_type<tc>, window_params = [{transform_indices = @transform_0, window_bounds = array<i64: 2, 3, 1, 64, 256>}, {transform_indices = @transform_1, window_bounds = array<i64: 2, 3, 1, 64, 256>}, {transform_indices = @transform_2, window_bounds = array<i64: 2, 3, 1, 64, 256>}, {transform_indices = @transform_3, window_bounds = array<i64: 1, 64, 256>}, {transform_indices = @transform_4, window_bounds = array<i64: 64, 1024>}, {transform_indices = @transform_5, window_bounds = array<i64: 9, 1, 64, 1024>}, {transform_indices = @transform_6, window_bounds = array<i64: 2, 9, 1, 64, 256>}]} {
    %get3A = arith.constant 0 : index
    %get3A_0 = arith.constant 0 : index
    %get3A_1 = arith.constant 0 : index
    %get3A_2 = vector.load %arg5[%get3A, %get3A_0, %get3A_1] : memref<1x64x256xf32, #tpu.memory_space<vmem>>, vector<1x64x256xf32>
    %get3A_3 = vector.shape_cast %get3A_2 : vector<1x64x256xf32> to vector<64x256xf32>
    %get3A_4 = arith.constant 0 : index
    %get3A_5 = arith.constant 0 : index
    %get3A_6 = vector.load %arg6[%get3A_4, %get3A_5] : memref<64x1024xf32, #tpu.memory_space<vmem>>, vector<64x1024xf32>
    %get3A_7 = arith.constant 0 : index
    %get3A_8 = arith.constant 0 : index
    %get3A_9 = arith.constant 0 : index
    %get3A_10 = arith.constant 0 : index
    %get3A_11 = arith.constant 0 : index
    %get3A_12 = vector.load %arg2[%get3A_7, %get3A_8, %get3A_9, %get3A_10, %get3A_11] : memref<2x3x1x64x256xf32, #tpu.memory_space<vmem>>, vector<1x1x1x64x256xf32>
    %get3A_13 = vector.shape_cast %get3A_12 : vector<1x1x1x64x256xf32> to vector<64x256xf32>
    %get3A_14 = arith.constant 0 : index
    %get3A_15 = arith.constant 0 : index
    %get3A_16 = arith.constant 0 : index
    %get3A_17 = arith.constant 0 : index
    %get3A_18 = arith.constant 0 : index
    %get3A_19 = vector.load %arg3[%get3A_14, %get3A_15, %get3A_16, %get3A_17, %get3A_18] : memref<2x3x1x64x256xf32, #tpu.memory_space<vmem>>, vector<1x1x1x64x256xf32>
    %get3A_20 = vector.shape_cast %get3A_19 : vector<1x1x1x64x256xf32> to vector<64x256xf32>
    %get3A_21 = arith.constant 0 : index
    %get3A_22 = arith.constant 0 : index
    %get3A_23 = arith.constant 0 : index
    %get3A_24 = arith.constant 0 : index
    %get3A_25 = arith.constant 0 : index
    %get3A_26 = vector.load %arg4[%get3A_21, %get3A_22, %get3A_23, %get3A_24, %get3A_25] : memref<2x3x1x64x256xf32, #tpu.memory_space<vmem>>, vector<1x1x1x64x256xf32>
    %get3A_27 = vector.shape_cast %get3A_26 : vector<1x1x1x64x256xf32> to vector<64x256xf32>
    %mul3A = arith.mulf %get3A_13, %get3A_13 : vector<64x256xf32>
    %sub3A = arith.constant 1.000000e+00 : f32
    %sub3A_28 = vector.broadcast %sub3A : f32 to vector<64x256xf32>
    %sub3A_29 = arith.subf %sub3A_28, %mul3A : vector<64x256xf32>
    %add3A = arith.constant 9.99999997E-7 : f32
    %add3A_30 = vector.broadcast %add3A : f32 to vector<64x256xf32>
    %add3A_31 = arith.addf %sub3A_29, %add3A_30 : vector<64x256xf32>
    %sqrt3A = math.sqrt %add3A_31 : vector<64x256xf32>
    %mul3A_32 = arith.mulf %get3A_27, %get3A_20 : vector<64x256xf32>
    %div3A = arith.divf %mul3A_32, %sqrt3A : vector<64x256xf32>
    %mul3A_33 = arith.constant 2.000000e+00 : f32
    %mul3A_34 = vector.broadcast %mul3A_33 : f32 to vector<64x256xf32>
    %mul3A_35 = arith.mulf %mul3A_34, %div3A : vector<64x256xf32>
    %div3A_36 = arith.constant 3.14159274 : f32
    %div3A_37 = vector.broadcast %div3A_36 : f32 to vector<64x256xf32>
    %div3A_38 = arith.divf %mul3A_35, %div3A_37 : vector<64x256xf32>
    %add3A_39 = arith.constant 1.000000e+00 : f32
    %add3A_40 = vector.broadcast %add3A_39 : f32 to vector<64x256xf32>
    %add3A_41 = arith.addf %div3A_38, %add3A_40 : vector<64x256xf32>
    %div3A_42 = arith.constant 2.000000e+00 : f32
    %div3A_43 = vector.broadcast %div3A_42 : f32 to vector<64x256xf32>
    %div3A_44 = arith.divf %add3A_41, %div3A_43 : vector<64x256xf32>
    %mul3A_45 = arith.constant 2.550000e+02 : f32
    %mul3A_46 = vector.broadcast %mul3A_45 : f32 to vector<64x256xf32>
    %mul3A_47 = arith.mulf %div3A_44, %mul3A_46 : vector<64x256xf32>
    %get3A_48 = arith.constant 0 : index
    %get3A_49 = arith.constant 1 : index
    %get3A_50 = arith.constant 0 : index
    %get3A_51 = arith.constant 0 : index
    %get3A_52 = arith.constant 0 : index
    %get3A_53 = vector.load %arg2[%get3A_48, %get3A_49, %get3A_50, %get3A_51, %get3A_52] : memref<2x3x1x64x256xf32, #tpu.memory_space<vmem>>, vector<1x1x1x64x256xf32>
    %get3A_54 = vector.shape_cast %get3A_53 : vector<1x1x1x64x256xf32> to vector<64x256xf32>
    %get3A_55 = arith.constant 0 : index
    %get3A_56 = arith.constant 1 : index
    %get3A_57 = arith.constant 0 : index
    %get3A_58 = arith.constant 0 : index
    %get3A_59 = arith.constant 0 : index
    %get3A_60 = vector.load %arg3[%get3A_55, %get3A_56, %get3A_57, %get3A_58, %get3A_59] : memref<2x3x1x64x256xf32, #tpu.memory_space<vmem>>, vector<1x1x1x64x256xf32>
    %get3A_61 = vector.shape_cast %get3A_60 : vector<1x1x1x64x256xf32> to vector<64x256xf32>
    %get3A_62 = arith.constant 0 : index
    %get3A_63 = arith.constant 1 : index
    %get3A_64 = arith.constant 0 : index
    %get3A_65 = arith.constant 0 : index
    %get3A_66 = arith.constant 0 : index
    %get3A_67 = vector.load %arg4[%get3A_62, %get3A_63, %get3A_64, %get3A_65, %get3A_66] : memref<2x3x1x64x256xf32, #tpu.memory_space<vmem>>, vector<1x1x1x64x256xf32>
    %get3A_68 = vector.shape_cast %get3A_67 : vector<1x1x1x64x256xf32> to vector<64x256xf32>
    %mul3A_69 = arith.mulf %get3A_54, %get3A_54 : vector<64x256xf32>
    %sub3A_70 = arith.constant 1.000000e+00 : f32
    %sub3A_71 = vector.broadcast %sub3A_70 : f32 to vector<64x256xf32>
    %sub3A_72 = arith.subf %sub3A_71, %mul3A_69 : vector<64x256xf32>
    %add3A_73 = arith.constant 9.99999997E-7 : f32
    %add3A_74 = vector.broadcast %add3A_73 : f32 to vector<64x256xf32>
    %add3A_75 = arith.addf %sub3A_72, %add3A_74 : vector<64x256xf32>
    %sqrt3A_76 = math.sqrt %add3A_75 : vector<64x256xf32>
    %mul3A_77 = arith.mulf %get3A_68, %get3A_61 : vector<64x256xf32>
    %div3A_78 = arith.divf %mul3A_77, %sqrt3A_76 : vector<64x256xf32>
    %mul3A_79 = arith.constant 2.000000e+00 : f32
    %mul3A_80 = vector.broadcast %mul3A_79 : f32 to vector<64x256xf32>
    %mul3A_81 = arith.mulf %mul3A_80, %div3A_78 : vector<64x256xf32>
    %div3A_82 = arith.constant 3.14159274 : f32
    %div3A_83 = vector.broadcast %div3A_82 : f32 to vector<64x256xf32>
    %div3A_84 = arith.divf %mul3A_81, %div3A_83 : vector<64x256xf32>
    %add3A_85 = arith.constant 1.000000e+00 : f32
    %add3A_86 = vector.broadcast %add3A_85 : f32 to vector<64x256xf32>
    %add3A_87 = arith.addf %div3A_84, %add3A_86 : vector<64x256xf32>
    %div3A_88 = arith.constant 2.000000e+00 : f32
    %div3A_89 = vector.broadcast %div3A_88 : f32 to vector<64x256xf32>
    %div3A_90 = arith.divf %add3A_87, %div3A_89 : vector<64x256xf32>
    %mul3A_91 = arith.constant 2.550000e+02 : f32
    %mul3A_92 = vector.broadcast %mul3A_91 : f32 to vector<64x256xf32>
    %mul3A_93 = arith.mulf %div3A_90, %mul3A_92 : vector<64x256xf32>
    %get3A_94 = arith.constant 0 : index
    %get3A_95 = arith.constant 2 : index
    %get3A_96 = arith.constant 0 : index
    %get3A_97 = arith.constant 0 : index
    %get3A_98 = arith.constant 0 : index
    %get3A_99 = vector.load %arg2[%get3A_94, %get3A_95, %get3A_96, %get3A_97, %get3A_98] : memref<2x3x1x64x256xf32, #tpu.memory_space<vmem>>, vector<1x1x1x64x256xf32>
    %get3A_100 = vector.shape_cast %get3A_99 : vector<1x1x1x64x256xf32> to vector<64x256xf32>
    %get3A_101 = arith.constant 0 : index
    %get3A_102 = arith.constant 2 : index
    %get3A_103 = arith.constant 0 : index
    %get3A_104 = arith.constant 0 : index
    %get3A_105 = arith.constant 0 : index
    %get3A_106 = vector.load %arg3[%get3A_101, %get3A_102, %get3A_103, %get3A_104, %get3A_105] : memref<2x3x1x64x256xf32, #tpu.memory_space<vmem>>, vector<1x1x1x64x256xf32>
    %get3A_107 = vector.shape_cast %get3A_106 : vector<1x1x1x64x256xf32> to vector<64x256xf32>
    %get3A_108 = arith.constant 0 : index
    %get3A_109 = arith.constant 2 : index
    %get3A_110 = arith.constant 0 : index
    %get3A_111 = arith.constant 0 : index
    %get3A_112 = arith.constant 0 : index
    %get3A_113 = vector.load %arg4[%get3A_108, %get3A_109, %get3A_110, %get3A_111, %get3A_112] : memref<2x3x1x64x256xf32, #tpu.memory_space<vmem>>, vector<1x1x1x64x256xf32>
    %get3A_114 = vector.shape_cast %get3A_113 : vector<1x1x1x64x256xf32> to vector<64x256xf32>
    %mul3A_115 = arith.mulf %get3A_100, %get3A_100 : vector<64x256xf32>
    %sub3A_116 = arith.constant 1.000000e+00 : f32
    %sub3A_117 = vector.broadcast %sub3A_116 : f32 to vector<64x256xf32>
    %sub3A_118 = arith.subf %sub3A_117, %mul3A_115 : vector<64x256xf32>
    %add3A_119 = arith.constant 9.99999997E-7 : f32
    %add3A_120 = vector.broadcast %add3A_119 : f32 to vector<64x256xf32>
    %add3A_121 = arith.addf %sub3A_118, %add3A_120 : vector<64x256xf32>
    %sqrt3A_122 = math.sqrt %add3A_121 : vector<64x256xf32>
    %mul3A_123 = arith.mulf %get3A_114, %get3A_107 : vector<64x256xf32>
    %div3A_124 = arith.divf %mul3A_123, %sqrt3A_122 : vector<64x256xf32>
    %mul3A_125 = arith.constant 2.000000e+00 : f32
    %mul3A_126 = vector.broadcast %mul3A_125 : f32 to vector<64x256xf32>
    %mul3A_127 = arith.mulf %mul3A_126, %div3A_124 : vector<64x256xf32>
    %div3A_128 = arith.constant 3.14159274 : f32
    %div3A_129 = vector.broadcast %div3A_128 : f32 to vector<64x256xf32>
    %div3A_130 = arith.divf %mul3A_127, %div3A_129 : vector<64x256xf32>
    %add3A_131 = arith.constant 1.000000e+00 : f32
    %add3A_132 = vector.broadcast %add3A_131 : f32 to vector<64x256xf32>
    %add3A_133 = arith.addf %div3A_130, %add3A_132 : vector<64x256xf32>
    %div3A_134 = arith.constant 2.000000e+00 : f32
    %div3A_135 = vector.broadcast %div3A_134 : f32 to vector<64x256xf32>
    %div3A_136 = arith.divf %add3A_133, %div3A_135 : vector<64x256xf32>
    %mul3A_137 = arith.constant 2.550000e+02 : f32
    %mul3A_138 = vector.broadcast %mul3A_137 : f32 to vector<64x256xf32>
    %mul3A_139 = arith.mulf %div3A_136, %mul3A_138 : vector<64x256xf32>
    %get3A_140 = arith.constant 1 : index
    %get3A_141 = arith.constant 0 : index
    %get3A_142 = arith.constant 0 : index
    %get3A_143 = arith.constant 0 : index
    %get3A_144 = arith.constant 0 : index
    %get3A_145 = vector.load %arg2[%get3A_140, %get3A_141, %get3A_142, %get3A_143, %get3A_144] : memref<2x3x1x64x256xf32, #tpu.memory_space<vmem>>, vector<1x1x1x64x256xf32>
    %get3A_146 = vector.shape_cast %get3A_145 : vector<1x1x1x64x256xf32> to vector<64x256xf32>
    %get3A_147 = arith.constant 1 : index
    %get3A_148 = arith.constant 0 : index
    %get3A_149 = arith.constant 0 : index
    %get3A_150 = arith.constant 0 : index
    %get3A_151 = arith.constant 0 : index
    %get3A_152 = vector.load %arg3[%get3A_147, %get3A_148, %get3A_149, %get3A_150, %get3A_151] : memref<2x3x1x64x256xf32, #tpu.memory_space<vmem>>, vector<1x1x1x64x256xf32>
    %get3A_153 = vector.shape_cast %get3A_152 : vector<1x1x1x64x256xf32> to vector<64x256xf32>
    %get3A_154 = arith.constant 1 : index
    %get3A_155 = arith.constant 0 : index
    %get3A_156 = arith.constant 0 : index
    %get3A_157 = arith.constant 0 : index
    %get3A_158 = arith.constant 0 : index
    %get3A_159 = vector.load %arg4[%get3A_154, %get3A_155, %get3A_156, %get3A_157, %get3A_158] : memref<2x3x1x64x256xf32, #tpu.memory_space<vmem>>, vector<1x1x1x64x256xf32>
    %get3A_160 = vector.shape_cast %get3A_159 : vector<1x1x1x64x256xf32> to vector<64x256xf32>
    %mul3A_161 = arith.mulf %get3A_146, %get3A_146 : vector<64x256xf32>
    %sub3A_162 = arith.constant 1.000000e+00 : f32
    %sub3A_163 = vector.broadcast %sub3A_162 : f32 to vector<64x256xf32>
    %sub3A_164 = arith.subf %sub3A_163, %mul3A_161 : vector<64x256xf32>
    %add3A_165 = arith.constant 9.99999997E-7 : f32
    %add3A_166 = vector.broadcast %add3A_165 : f32 to vector<64x256xf32>
    %add3A_167 = arith.addf %sub3A_164, %add3A_166 : vector<64x256xf32>
    %sqrt3A_168 = math.sqrt %add3A_167 : vector<64x256xf32>
    %mul3A_169 = arith.mulf %get3A_160, %get3A_153 : vector<64x256xf32>
    %div3A_170 = arith.divf %mul3A_169, %sqrt3A_168 : vector<64x256xf32>
    %mul3A_171 = arith.constant 2.000000e+00 : f32
    %mul3A_172 = vector.broadcast %mul3A_171 : f32 to vector<64x256xf32>
    %mul3A_173 = arith.mulf %mul3A_172, %div3A_170 : vector<64x256xf32>
    %div3A_174 = arith.constant 3.14159274 : f32
    %div3A_175 = vector.broadcast %div3A_174 : f32 to vector<64x256xf32>
    %div3A_176 = arith.divf %mul3A_173, %div3A_175 : vector<64x256xf32>
    %add3A_177 = arith.constant 1.000000e+00 : f32
    %add3A_178 = vector.broadcast %add3A_177 : f32 to vector<64x256xf32>
    %add3A_179 = arith.addf %div3A_176, %add3A_178 : vector<64x256xf32>
    %div3A_180 = arith.constant 2.000000e+00 : f32
    %div3A_181 = vector.broadcast %div3A_180 : f32 to vector<64x256xf32>
    %div3A_182 = arith.divf %add3A_179, %div3A_181 : vector<64x256xf32>
    %mul3A_183 = arith.constant 2.550000e+02 : f32
    %mul3A_184 = vector.broadcast %mul3A_183 : f32 to vector<64x256xf32>
    %mul3A_185 = arith.mulf %div3A_182, %mul3A_184 : vector<64x256xf32>
    %get3A_186 = arith.constant 1 : index
    %get3A_187 = arith.constant 1 : index
    %get3A_188 = arith.constant 0 : index
    %get3A_189 = arith.constant 0 : index
    %get3A_190 = arith.constant 0 : index
    %get3A_191 = vector.load %arg2[%get3A_186, %get3A_187, %get3A_188, %get3A_189, %get3A_190] : memref<2x3x1x64x256xf32, #tpu.memory_space<vmem>>, vector<1x1x1x64x256xf32>
    %get3A_192 = vector.shape_cast %get3A_191 : vector<1x1x1x64x256xf32> to vector<64x256xf32>
    %get3A_193 = arith.constant 1 : index
    %get3A_194 = arith.constant 1 : index
    %get3A_195 = arith.constant 0 : index
    %get3A_196 = arith.constant 0 : index
    %get3A_197 = arith.constant 0 : index
    %get3A_198 = vector.load %arg3[%get3A_193, %get3A_194, %get3A_195, %get3A_196, %get3A_197] : memref<2x3x1x64x256xf32, #tpu.memory_space<vmem>>, vector<1x1x1x64x256xf32>
    %get3A_199 = vector.shape_cast %get3A_198 : vector<1x1x1x64x256xf32> to vector<64x256xf32>
    %get3A_200 = arith.constant 1 : index
    %get3A_201 = arith.constant 1 : index
    %get3A_202 = arith.constant 0 : index
    %get3A_203 = arith.constant 0 : index
    %get3A_204 = arith.constant 0 : index
    %get3A_205 = vector.load %arg4[%get3A_200, %get3A_201, %get3A_202, %get3A_203, %get3A_204] : memref<2x3x1x64x256xf32, #tpu.memory_space<vmem>>, vector<1x1x1x64x256xf32>
    %get3A_206 = vector.shape_cast %get3A_205 : vector<1x1x1x64x256xf32> to vector<64x256xf32>
    %mul3A_207 = arith.mulf %get3A_192, %get3A_192 : vector<64x256xf32>
    %sub3A_208 = arith.constant 1.000000e+00 : f32
    %sub3A_209 = vector.broadcast %sub3A_208 : f32 to vector<64x256xf32>
    %sub3A_210 = arith.subf %sub3A_209, %mul3A_207 : vector<64x256xf32>
    %add3A_211 = arith.constant 9.99999997E-7 : f32
    %add3A_212 = vector.broadcast %add3A_211 : f32 to vector<64x256xf32>
    %add3A_213 = arith.addf %sub3A_210, %add3A_212 : vector<64x256xf32>
    %sqrt3A_214 = math.sqrt %add3A_213 : vector<64x256xf32>
    %mul3A_215 = arith.mulf %get3A_206, %get3A_199 : vector<64x256xf32>
    %div3A_216 = arith.divf %mul3A_215, %sqrt3A_214 : vector<64x256xf32>
    %mul3A_217 = arith.constant 2.000000e+00 : f32
    %mul3A_218 = vector.broadcast %mul3A_217 : f32 to vector<64x256xf32>
    %mul3A_219 = arith.mulf %mul3A_218, %div3A_216 : vector<64x256xf32>
    %div3A_220 = arith.constant 3.14159274 : f32
    %div3A_221 = vector.broadcast %div3A_220 : f32 to vector<64x256xf32>
    %div3A_222 = arith.divf %mul3A_219, %div3A_221 : vector<64x256xf32>
    %add3A_223 = arith.constant 1.000000e+00 : f32
    %add3A_224 = vector.broadcast %add3A_223 : f32 to vector<64x256xf32>
    %add3A_225 = arith.addf %div3A_222, %add3A_224 : vector<64x256xf32>
    %div3A_226 = arith.constant 2.000000e+00 : f32
    %div3A_227 = vector.broadcast %div3A_226 : f32 to vector<64x256xf32>
    %div3A_228 = arith.divf %add3A_225, %div3A_227 : vector<64x256xf32>
    %mul3A_229 = arith.constant 2.550000e+02 : f32
    %mul3A_230 = vector.broadcast %mul3A_229 : f32 to vector<64x256xf32>
    %mul3A_231 = arith.mulf %div3A_228, %mul3A_230 : vector<64x256xf32>
    %get3A_232 = arith.constant 1 : index
    %get3A_233 = arith.constant 2 : index
    %get3A_234 = arith.constant 0 : index
    %get3A_235 = arith.constant 0 : index
    %get3A_236 = arith.constant 0 : index
    %get3A_237 = vector.load %arg2[%get3A_232, %get3A_233, %get3A_234, %get3A_235, %get3A_236] : memref<2x3x1x64x256xf32, #tpu.memory_space<vmem>>, vector<1x1x1x64x256xf32>
    %get3A_238 = vector.shape_cast %get3A_237 : vector<1x1x1x64x256xf32> to vector<64x256xf32>
    %get3A_239 = arith.constant 1 : index
    %get3A_240 = arith.constant 2 : index
    %get3A_241 = arith.constant 0 : index
    %get3A_242 = arith.constant 0 : index
    %get3A_243 = arith.constant 0 : index
    %get3A_244 = vector.load %arg3[%get3A_239, %get3A_240, %get3A_241, %get3A_242, %get3A_243] : memref<2x3x1x64x256xf32, #tpu.memory_space<vmem>>, vector<1x1x1x64x256xf32>
    %get3A_245 = vector.shape_cast %get3A_244 : vector<1x1x1x64x256xf32> to vector<64x256xf32>
    %get3A_246 = arith.constant 1 : index
    %get3A_247 = arith.constant 2 : index
    %get3A_248 = arith.constant 0 : index
    %get3A_249 = arith.constant 0 : index
    %get3A_250 = arith.constant 0 : index
    %get3A_251 = vector.load %arg4[%get3A_246, %get3A_247, %get3A_248, %get3A_249, %get3A_250] : memref<2x3x1x64x256xf32, #tpu.memory_space<vmem>>, vector<1x1x1x64x256xf32>
    %get3A_252 = vector.shape_cast %get3A_251 : vector<1x1x1x64x256xf32> to vector<64x256xf32>
    %mul3A_253 = arith.mulf %get3A_238, %get3A_238 : vector<64x256xf32>
    %sub3A_254 = arith.constant 1.000000e+00 : f32
    %sub3A_255 = vector.broadcast %sub3A_254 : f32 to vector<64x256xf32>
    %sub3A_256 = arith.subf %sub3A_255, %mul3A_253 : vector<64x256xf32>
    %add3A_257 = arith.constant 9.99999997E-7 : f32
    %add3A_258 = vector.broadcast %add3A_257 : f32 to vector<64x256xf32>
    %add3A_259 = arith.addf %sub3A_256, %add3A_258 : vector<64x256xf32>
    %sqrt3A_260 = math.sqrt %add3A_259 : vector<64x256xf32>
    %mul3A_261 = arith.mulf %get3A_252, %get3A_245 : vector<64x256xf32>
    %div3A_262 = arith.divf %mul3A_261, %sqrt3A_260 : vector<64x256xf32>
    %mul3A_263 = arith.constant 2.000000e+00 : f32
    %mul3A_264 = vector.broadcast %mul3A_263 : f32 to vector<64x256xf32>
    %mul3A_265 = arith.mulf %mul3A_264, %div3A_262 : vector<64x256xf32>
    %div3A_266 = arith.constant 3.14159274 : f32
    %div3A_267 = vector.broadcast %div3A_266 : f32 to vector<64x256xf32>
    %div3A_268 = arith.divf %mul3A_265, %div3A_267 : vector<64x256xf32>
    %add3A_269 = arith.constant 1.000000e+00 : f32
    %add3A_270 = vector.broadcast %add3A_269 : f32 to vector<64x256xf32>
    %add3A_271 = arith.addf %div3A_268, %add3A_270 : vector<64x256xf32>
    %div3A_272 = arith.constant 2.000000e+00 : f32
    %div3A_273 = vector.broadcast %div3A_272 : f32 to vector<64x256xf32>
    %div3A_274 = arith.divf %add3A_271, %div3A_273 : vector<64x256xf32>
    %mul3A_275 = arith.constant 2.550000e+02 : f32
    %mul3A_276 = vector.broadcast %mul3A_275 : f32 to vector<64x256xf32>
    %mul3A_277 = arith.mulf %div3A_274, %mul3A_276 : vector<64x256xf32>
    %round3A = math.roundeven %mul3A_47 : vector<64x256xf32>
    %convert_element_type3A = arith.fptosi %round3A : vector<64x256xf32> to vector<64x256xi32>
    %round3A_278 = math.roundeven %mul3A_93 : vector<64x256xf32>
    %convert_element_type3A_279 = arith.fptosi %round3A_278 : vector<64x256xf32> to vector<64x256xi32>
    %round3A_280 = math.roundeven %mul3A_139 : vector<64x256xf32>
    %convert_element_type3A_281 = arith.fptosi %round3A_280 : vector<64x256xf32> to vector<64x256xi32>
    %round3A_282 = math.roundeven %mul3A_185 : vector<64x256xf32>
    %convert_element_type3A_283 = arith.fptosi %round3A_282 : vector<64x256xf32> to vector<64x256xi32>
    %round3A_284 = math.roundeven %mul3A_231 : vector<64x256xf32>
    %convert_element_type3A_285 = arith.fptosi %round3A_284 : vector<64x256xf32> to vector<64x256xi32>
    %round3A_286 = math.roundeven %mul3A_277 : vector<64x256xf32>
    %convert_element_type3A_287 = arith.fptosi %round3A_286 : vector<64x256xf32> to vector<64x256xi32>
    %convert_element_type3A_288 = arith.sitofp %convert_element_type3A : vector<64x256xi32> to vector<64x256xf32>
    %sub3A_289 = arith.subf %convert_element_type3A_288, %mul3A_93 : vector<64x256xf32>
    %integer_pow3A = arith.mulf %sub3A_289, %sub3A_289 : vector<64x256xf32>
    %convert_element_type3A_290 = arith.sitofp %convert_element_type3A_279 : vector<64x256xi32> to vector<64x256xf32>
    %sub3A_291 = arith.subf %convert_element_type3A_290, %mul3A_93 : vector<64x256xf32>
    %integer_pow3A_292 = arith.mulf %sub3A_291, %sub3A_291 : vector<64x256xf32>
    %convert_element_type3A_293 = arith.sitofp %convert_element_type3A_281 : vector<64x256xi32> to vector<64x256xf32>
    %sub3A_294 = arith.subf %convert_element_type3A_293, %mul3A_93 : vector<64x256xf32>
    %integer_pow3A_295 = arith.mulf %sub3A_294, %sub3A_294 : vector<64x256xf32>
    %convert_element_type3A_296 = arith.sitofp %convert_element_type3A_283 : vector<64x256xi32> to vector<64x256xf32>
    %sub3A_297 = arith.subf %convert_element_type3A_296, %mul3A_231 : vector<64x256xf32>
    %integer_pow3A_298 = arith.mulf %sub3A_297, %sub3A_297 : vector<64x256xf32>
    %convert_element_type3A_299 = arith.sitofp %convert_element_type3A_285 : vector<64x256xi32> to vector<64x256xf32>
    %sub3A_300 = arith.subf %convert_element_type3A_299, %mul3A_231 : vector<64x256xf32>
    %integer_pow3A_301 = arith.mulf %sub3A_300, %sub3A_300 : vector<64x256xf32>
    %convert_element_type3A_302 = arith.sitofp %convert_element_type3A_287 : vector<64x256xi32> to vector<64x256xf32>
    %sub3A_303 = arith.subf %convert_element_type3A_302, %mul3A_231 : vector<64x256xf32>
    %integer_pow3A_304 = arith.mulf %sub3A_303, %sub3A_303 : vector<64x256xf32>
    %add3A_305 = arith.addf %integer_pow3A, %integer_pow3A_298 : vector<64x256xf32>
    %sqrt3A_306 = math.sqrt %add3A_305 : vector<64x256xf32>
    %mul3A_307 = arith.constant 2.000000e+00 : f32
    %mul3A_308 = vector.broadcast %mul3A_307 : f32 to vector<64x256xf32>
    %mul3A_309 = arith.mulf %mul3A_308, %sqrt3A_306 : vector<64x256xf32>
    %sub3A_310 = arith.constant 1.000000e+00 : f32
    %sub3A_311 = vector.broadcast %sub3A_310 : f32 to vector<64x256xf32>
    %sub3A_312 = arith.subf %sub3A_311, %mul3A_309 : vector<64x256xf32>
    %mul3A_313 = arith.constant 6.000000e+00 : f32
    %mul3A_314 = vector.broadcast %mul3A_313 : f32 to vector<64x256xf32>
    %mul3A_315 = arith.mulf %mul3A_314, %sub3A_312 : vector<64x256xf32>
    %neg3A = arith.constant 0.000000e+00 : f32
    %neg3A_316 = vector.broadcast %neg3A : f32 to vector<64x256xf32>
    %neg3A_317 = arith.subf %neg3A_316, %mul3A_315 : vector<64x256xf32>
    %exp3A = math.exp %neg3A_317 : vector<64x256xf32>
    %add3A_318 = arith.constant 1.000000e+00 : f32
    %add3A_319 = vector.broadcast %add3A_318 : f32 to vector<64x256xf32>
    %add3A_320 = arith.addf %add3A_319, %exp3A : vector<64x256xf32>
    %div3A_321 = arith.constant 1.000000e+00 : f32
    %div3A_322 = vector.broadcast %div3A_321 : f32 to vector<64x256xf32>
    %div3A_323 = arith.divf %div3A_322, %add3A_320 : vector<64x256xf32>
    %mul3A_324 = arith.mulf %get3A_3, %div3A_323 : vector<64x256xf32>
    %broadcast_in_dim3A = vector.shape_cast %mul3A_324 : vector<64x256xf32> to vector<64x256x1xf32>
    %broadcast_in_dim3A_325 = vector.shape_cast %broadcast_in_dim3A : vector<64x256x1xf32> to vector<64x256x1xf32>
    %broadcast_in_dim3A_326 = vector.broadcast %broadcast_in_dim3A_325 : vector<64x256x1xf32> to vector<64x256x4xf32>
    %reshape3A = vector.shape_cast %broadcast_in_dim3A_326 : vector<64x256x4xf32> to vector<64x1024xf32>
    %mul3A_327 = arith.mulf %reshape3A, %get3A_6 : vector<64x1024xf32>
    %swap3A = arith.constant 0 : index
    %swap3A_328 = arith.constant 0 : index
    %swap3A_329 = arith.constant 0 : index
    %swap3A_330 = arith.constant 0 : index
    %swap3A_331 = vector.load %arg7[%swap3A, %swap3A_328, %swap3A_329, %swap3A_330] : memref<9x1x64x1024xf32, #tpu.memory_space<vmem>>, vector<1x1x64x1024xf32>
    %swap3A_332 = vector.shape_cast %swap3A_331 : vector<1x1x64x1024xf32> to vector<64x1024xf32>
    %swap3A_333 = vector.shape_cast %mul3A_327 : vector<64x1024xf32> to vector<1x1x64x1024xf32>
    tpu.vector_store %arg7[%swap3A, %swap3A_328, %swap3A_329, %swap3A_330], %swap3A_333 {strides = array<i32>} : memref<9x1x64x1024xf32, #tpu.memory_space<vmem>>, vector<1x1x64x1024xf32>,
    %mul3A_334 = arith.constant 256 : i32
    %mul3A_335 = vector.broadcast %mul3A_334 : i32 to vector<64x256xi32>
    %mul3A_336 = arith.muli %convert_element_type3A, %mul3A_335 : vector<64x256xi32>
    %add3A_337 = arith.addi %mul3A_336, %convert_element_type3A_283 : vector<64x256xi32>
    %jit3A = arith.constant 0 : i32
    %jit3A_338 = arith.constant 65535 : i32
    %max3A = vector.broadcast %jit3A : i32 to vector<64x256xi32>
    %max3A_339 = arith.maxsi %max3A, %add3A_337 : vector<64x256xi32>
    %min3A = vector.broadcast %jit3A_338 : i32 to vector<64x256xi32>
    %min3A_340 = arith.minsi %min3A, %max3A_339 : vector<64x256xi32>
    %lt3A = arith.constant 32768 : i32
    %lt3A_341 = vector.broadcast %lt3A : i32 to vector<64x256xi32>
    %lt3A_342 = arith.cmpi slt, %min3A_340, %lt3A_341 : vector<64x256xi32>
    %jit3A_343 = arith.constant -1 : i32
    %broadcast_in_dim3A_344 = vector.broadcast %jit3A_343 : i32 to vector<64x256xi32>
    %select_n3A = arith.select %lt3A_342, %min3A_340, %broadcast_in_dim3A_344 : vector<64x256xi1>, vector<64x256xi32>
    %swap3A_345 = arith.constant 0 : index
    %swap3A_346 = arith.constant 0 : index
    %swap3A_347 = arith.constant 0 : index
    %swap3A_348 = arith.constant 0 : index
    %swap3A_349 = arith.constant 0 : index
    %swap3A_350 = vector.load %arg8[%swap3A_345, %swap3A_346, %swap3A_347, %swap3A_348, %swap3A_349] : memref<2x9x1x64x256xi32, #tpu.memory_space<vmem>>, vector<1x1x1x64x256xi32>
    %swap3A_351 = vector.shape_cast %swap3A_350 : vector<1x1x1x64x256xi32> to vector<64x256xi32>
    %swap3A_352 = vector.shape_cast %select_n3A : vector<64x256xi32> to vector<1x1x1x64x256xi32>
    tpu.vector_store %arg8[%swap3A_345, %swap3A_346, %swap3A_347, %swap3A_348, %swap3A_349], %swap3A_352 {strides = array<i32>} : memref<2x9x1x64x256xi32, #tpu.memory_space<vmem>>, vector<1x1x1x64x256xi32>,
    %ge3A = arith.constant 32768 : i32
    %ge3A_353 = vector.broadcast %ge3A : i32 to vector<64x256xi32>
    %ge3A_354 = arith.cmpi sge, %min3A_340, %ge3A_353 : vector<64x256xi32>
    %sub3A_355 = arith.constant 32768 : i32
    %sub3A_356 = vector.broadcast %sub3A_355 : i32 to vector<64x256xi32>
    %sub3A_357 = arith.subi %min3A_340, %sub3A_356 : vector<64x256xi32>
    %jit3A_358 = arith.constant -1 : i32
    %broadcast_in_dim3A_359 = vector.broadcast %jit3A_358 : i32 to vector<64x256xi32>
    %select_n3A_360 = arith.select %ge3A_354, %sub3A_357, %broadcast_in_dim3A_359 : vector<64x256xi1>, vector<64x256xi32>
    %swap3A_361 = arith.constant 1 : index
    %swap3A_362 = arith.constant 0 : index
    %swap3A_363 = arith.constant 0 : index
    %swap3A_364 = arith.constant 0 : index
    %swap3A_365 = arith.constant 0 : index
    %swap3A_366 = vector.load %arg8[%swap3A_361, %swap3A_362, %swap3A_363, %swap3A_364, %swap3A_365] : memref<2x9x1x64x256xi32, #tpu.memory_space<vmem>>, vector<1x1x1x64x256xi32>
    %swap3A_367 = vector.shape_cast %swap3A_366 : vector<1x1x1x64x256xi32> to vector<64x256xi32>
    %swap3A_368 = vector.shape_cast %select_n3A_360 : vector<64x256xi32> to vector<1x1x1x64x256xi32>
    tpu.vector_store %arg8[%swap3A_361, %swap3A_362, %swap3A_363, %swap3A_364, %swap3A_365], %swap3A_368 {strides = array<i32>} : memref<2x9x1x64x256xi32, #tpu.memory_space<vmem>>, vector<1x1x1x64x256xi32>,
    %add3A_369 = arith.addf %integer_pow3A, %integer_pow3A_301 : vector<64x256xf32>
    %sqrt3A_370 = math.sqrt %add3A_369 : vector<64x256xf32>
    %mul3A_371 = arith.constant 2.000000e+00 : f32
    %mul3A_372 = vector.broadcast %mul3A_371 : f32 to vector<64x256xf32>
    %mul3A_373 = arith.mulf %mul3A_372, %sqrt3A_370 : vector<64x256xf32>
    %sub3A_374 = arith.constant 1.000000e+00 : f32
    %sub3A_375 = vector.broadcast %sub3A_374 : f32 to vector<64x256xf32>
    %sub3A_376 = arith.subf %sub3A_375, %mul3A_373 : vector<64x256xf32>
    %mul3A_377 = arith.constant 6.000000e+00 : f32
    %mul3A_378 = vector.broadcast %mul3A_377 : f32 to vector<64x256xf32>
    %mul3A_379 = arith.mulf %mul3A_378, %sub3A_376 : vector<64x256xf32>
    %neg3A_380 = arith.constant 0.000000e+00 : f32
    %neg3A_381 = vector.broadcast %neg3A_380 : f32 to vector<64x256xf32>
    %neg3A_382 = arith.subf %neg3A_381, %mul3A_379 : vector<64x256xf32>
    %exp3A_383 = math.exp %neg3A_382 : vector<64x256xf32>
    %add3A_384 = arith.constant 1.000000e+00 : f32
    %add3A_385 = vector.broadcast %add3A_384 : f32 to vector<64x256xf32>
    %add3A_386 = arith.addf %add3A_385, %exp3A_383 : vector<64x256xf32>
    %div3A_387 = arith.constant 1.000000e+00 : f32
    %div3A_388 = vector.broadcast %div3A_387 : f32 to vector<64x256xf32>
    %div3A_389 = arith.divf %div3A_388, %add3A_386 : vector<64x256xf32>
    %mul3A_390 = arith.mulf %get3A_3, %div3A_389 : vector<64x256xf32>
    %broadcast_in_dim3A_391 = vector.shape_cast %mul3A_390 : vector<64x256xf32> to vector<64x256x1xf32>
    %broadcast_in_dim3A_392 = vector.shape_cast %broadcast_in_dim3A_391 : vector<64x256x1xf32> to vector<64x256x1xf32>
    %broadcast_in_dim3A_393 = vector.broadcast %broadcast_in_dim3A_392 : vector<64x256x1xf32> to vector<64x256x4xf32>
    %reshape3A_394 = vector.shape_cast %broadcast_in_dim3A_393 : vector<64x256x4xf32> to vector<64x1024xf32>
    %mul3A_395 = arith.mulf %reshape3A_394, %get3A_6 : vector<64x1024xf32>
    %swap3A_396 = arith.constant 1 : index
    %swap3A_397 = arith.constant 0 : index
    %swap3A_398 = arith.constant 0 : index
    %swap3A_399 = arith.constant 0 : index
    %swap3A_400 = vector.load %arg7[%swap3A_396, %swap3A_397, %swap3A_398, %swap3A_399] : memref<9x1x64x1024xf32, #tpu.memory_space<vmem>>, vector<1x1x64x1024xf32>
    %swap3A_401 = vector.shape_cast %swap3A_400 : vector<1x1x64x1024xf32> to vector<64x1024xf32>
    %swap3A_402 = vector.shape_cast %mul3A_395 : vector<64x1024xf32> to vector<1x1x64x1024xf32>
    tpu.vector_store %arg7[%swap3A_396, %swap3A_397, %swap3A_398, %swap3A_399], %swap3A_402 {strides = array<i32>} : memref<9x1x64x1024xf32, #tpu.memory_space<vmem>>, vector<1x1x64x1024xf32>,
    %mul3A_403 = arith.constant 256 : i32
    %mul3A_404 = vector.broadcast %mul3A_403 : i32 to vector<64x256xi32>
    %mul3A_405 = arith.muli %convert_element_type3A, %mul3A_404 : vector<64x256xi32>
    %add3A_406 = arith.addi %mul3A_405, %convert_element_type3A_285 : vector<64x256xi32>
    %jit3A_407 = arith.constant 0 : i32
    %jit3A_408 = arith.constant 65535 : i32
    %max3A_409 = vector.broadcast %jit3A_407 : i32 to vector<64x256xi32>
    %max3A_410 = arith.maxsi %max3A_409, %add3A_406 : vector<64x256xi32>
    %min3A_411 = vector.broadcast %jit3A_408 : i32 to vector<64x256xi32>
    %min3A_412 = arith.minsi %min3A_411, %max3A_410 : vector<64x256xi32>
    %lt3A_413 = arith.constant 32768 : i32
    %lt3A_414 = vector.broadcast %lt3A_413 : i32 to vector<64x256xi32>
    %lt3A_415 = arith.cmpi slt, %min3A_412, %lt3A_414 : vector<64x256xi32>
    %jit3A_416 = arith.constant -1 : i32
    %broadcast_in_dim3A_417 = vector.broadcast %jit3A_416 : i32 to vector<64x256xi32>
    %select_n3A_418 = arith.select %lt3A_415, %min3A_412, %broadcast_in_dim3A_417 : vector<64x256xi1>, vector<64x256xi32>
    %swap3A_419 = arith.constant 0 : index
    %swap3A_420 = arith.constant 1 : index
    %swap3A_421 = arith.constant 0 : index
    %swap3A_422 = arith.constant 0 : index
    %swap3A_423 = arith.constant 0 : index
    %swap3A_424 = vector.load %arg8[%swap3A_419, %swap3A_420, %swap3A_421, %swap3A_422, %swap3A_423] : memref<2x9x1x64x256xi32, #tpu.memory_space<vmem>>, vector<1x1x1x64x256xi32>
    %swap3A_425 = vector.shape_cast %swap3A_424 : vector<1x1x1x64x256xi32> to vector<64x256xi32>
    %swap3A_426 = vector.shape_cast %select_n3A_418 : vector<64x256xi32> to vector<1x1x1x64x256xi32>
    tpu.vector_store %arg8[%swap3A_419, %swap3A_420, %swap3A_421, %swap3A_422, %swap3A_423], %swap3A_426 {strides = array<i32>} : memref<2x9x1x64x256xi32, #tpu.memory_space<vmem>>, vector<1x1x1x64x256xi32>,
    %ge3A_427 = arith.constant 32768 : i32
    %ge3A_428 = vector.broadcast %ge3A_427 : i32 to vector<64x256xi32>
    %ge3A_429 = arith.cmpi sge, %min3A_412, %ge3A_428 : vector<64x256xi32>
    %sub3A_430 = arith.constant 32768 : i32
    %sub3A_431 = vector.broadcast %sub3A_430 : i32 to vector<64x256xi32>
    %sub3A_432 = arith.subi %min3A_412, %sub3A_431 : vector<64x256xi32>
    %jit3A_433 = arith.constant -1 : i32
    %broadcast_in_dim3A_434 = vector.broadcast %jit3A_433 : i32 to vector<64x256xi32>
    %select_n3A_435 = arith.select %ge3A_429, %sub3A_432, %broadcast_in_dim3A_434 : vector<64x256xi1>, vector<64x256xi32>
    %swap3A_436 = arith.constant 1 : index
    %swap3A_437 = arith.constant 1 : index
    %swap3A_438 = arith.constant 0 : index
    %swap3A_439 = arith.constant 0 : index
    %swap3A_440 = arith.constant 0 : index
    %swap3A_441 = vector.load %arg8[%swap3A_436, %swap3A_437, %swap3A_438, %swap3A_439, %swap3A_440] : memref<2x9x1x64x256xi32, #tpu.memory_space<vmem>>, vector<1x1x1x64x256xi32>
    %swap3A_442 = vector.shape_cast %swap3A_441 : vector<1x1x1x64x256xi32> to vector<64x256xi32>
    %swap3A_443 = vector.shape_cast %select_n3A_435 : vector<64x256xi32> to vector<1x1x1x64x256xi32>
    tpu.vector_store %arg8[%swap3A_436, %swap3A_437, %swap3A_438, %swap3A_439, %swap3A_440], %swap3A_443 {strides = array<i32>} : memref<2x9x1x64x256xi32, #tpu.memory_space<vmem>>, vector<1x1x1x64x256xi32>,
    %add3A_444 = arith.addf %integer_pow3A, %integer_pow3A_304 : vector<64x256xf32>
    %sqrt3A_445 = math.sqrt %add3A_444 : vector<64x256xf32>
    %mul3A_446 = arith.constant 2.000000e+00 : f32
    %mul3A_447 = vector.broadcast %mul3A_446 : f32 to vector<64x256xf32>
    %mul3A_448 = arith.mulf %mul3A_447, %sqrt3A_445 : vector<64x256xf32>
    %sub3A_449 = arith.constant 1.000000e+00 : f32
    %sub3A_450 = vector.broadcast %sub3A_449 : f32 to vector<64x256xf32>
    %sub3A_451 = arith.subf %sub3A_450, %mul3A_448 : vector<64x256xf32>
    %mul3A_452 = arith.constant 6.000000e+00 : f32
    %mul3A_453 = vector.broadcast %mul3A_452 : f32 to vector<64x256xf32>
    %mul3A_454 = arith.mulf %mul3A_453, %sub3A_451 : vector<64x256xf32>
    %neg3A_455 = arith.constant 0.000000e+00 : f32
    %neg3A_456 = vector.broadcast %neg3A_455 : f32 to vector<64x256xf32>
    %neg3A_457 = arith.subf %neg3A_456, %mul3A_454 : vector<64x256xf32>
    %exp3A_458 = math.exp %neg3A_457 : vector<64x256xf32>
    %add3A_459 = arith.constant 1.000000e+00 : f32
    %add3A_460 = vector.broadcast %add3A_459 : f32 to vector<64x256xf32>
    %add3A_461 = arith.addf %add3A_460, %exp3A_458 : vector<64x256xf32>
    %div3A_462 = arith.constant 1.000000e+00 : f32
    %div3A_463 = vector.broadcast %div3A_462 : f32 to vector<64x256xf32>
    %div3A_464 = arith.divf %div3A_463, %add3A_461 : vector<64x256xf32>
    %mul3A_465 = arith.mulf %get3A_3, %div3A_464 : vector<64x256xf32>
    %broadcast_in_dim3A_466 = vector.shape_cast %mul3A_465 : vector<64x256xf32> to vector<64x256x1xf32>
    %broadcast_in_dim3A_467 = vector.shape_cast %broadcast_in_dim3A_466 : vector<64x256x1xf32> to vector<64x256x1xf32>
    %broadcast_in_dim3A_468 = vector.broadcast %broadcast_in_dim3A_467 : vector<64x256x1xf32> to vector<64x256x4xf32>
    %reshape3A_469 = vector.shape_cast %broadcast_in_dim3A_468 : vector<64x256x4xf32> to vector<64x1024xf32>
    %mul3A_470 = arith.mulf %reshape3A_469, %get3A_6 : vector<64x1024xf32>
    %swap3A_471 = arith.constant 2 : index
    %swap3A_472 = arith.constant 0 : index
    %swap3A_473 = arith.constant 0 : index
    %swap3A_474 = arith.constant 0 : index
    %swap3A_475 = vector.load %arg7[%swap3A_471, %swap3A_472, %swap3A_473, %swap3A_474] : memref<9x1x64x1024xf32, #tpu.memory_space<vmem>>, vector<1x1x64x1024xf32>
    %swap3A_476 = vector.shape_cast %swap3A_475 : vector<1x1x64x1024xf32> to vector<64x1024xf32>
    %swap3A_477 = vector.shape_cast %mul3A_470 : vector<64x1024xf32> to vector<1x1x64x1024xf32>
    tpu.vector_store %arg7[%swap3A_471, %swap3A_472, %swap3A_473, %swap3A_474], %swap3A_477 {strides = array<i32>} : memref<9x1x64x1024xf32, #tpu.memory_space<vmem>>, vector<1x1x64x1024xf32>,
    %mul3A_478 = arith.constant 256 : i32
    %mul3A_479 = vector.broadcast %mul3A_478 : i32 to vector<64x256xi32>
    %mul3A_480 = arith.muli %convert_element_type3A, %mul3A_479 : vector<64x256xi32>
    %add3A_481 = arith.addi %mul3A_480, %convert_element_type3A_287 : vector<64x256xi32>
    %jit3A_482 = arith.constant 0 : i32
    %jit3A_483 = arith.constant 65535 : i32
    %max3A_484 = vector.broadcast %jit3A_482 : i32 to vector<64x256xi32>
    %max3A_485 = arith.maxsi %max3A_484, %add3A_481 : vector<64x256xi32>
    %min3A_486 = vector.broadcast %jit3A_483 : i32 to vector<64x256xi32>
    %min3A_487 = arith.minsi %min3A_486, %max3A_485 : vector<64x256xi32>
    %lt3A_488 = arith.constant 32768 : i32
    %lt3A_489 = vector.broadcast %lt3A_488 : i32 to vector<64x256xi32>
    %lt3A_490 = arith.cmpi slt, %min3A_487, %lt3A_489 : vector<64x256xi32>
    %jit3A_491 = arith.constant -1 : i32
    %broadcast_in_dim3A_492 = vector.broadcast %jit3A_491 : i32 to vector<64x256xi32>
    %select_n3A_493 = arith.select %lt3A_490, %min3A_487, %broadcast_in_dim3A_492 : vector<64x256xi1>, vector<64x256xi32>
    %swap3A_494 = arith.constant 0 : index
    %swap3A_495 = arith.constant 2 : index
    %swap3A_496 = arith.constant 0 : index
    %swap3A_497 = arith.constant 0 : index
    %swap3A_498 = arith.constant 0 : index
    %swap3A_499 = vector.load %arg8[%swap3A_494, %swap3A_495, %swap3A_496, %swap3A_497, %swap3A_498] : memref<2x9x1x64x256xi32, #tpu.memory_space<vmem>>, vector<1x1x1x64x256xi32>
    %swap3A_500 = vector.shape_cast %swap3A_499 : vector<1x1x1x64x256xi32> to vector<64x256xi32>
    %swap3A_501 = vector.shape_cast %select_n3A_493 : vector<64x256xi32> to vector<1x1x1x64x256xi32>
    tpu.vector_store %arg8[%swap3A_494, %swap3A_495, %swap3A_496, %swap3A_497, %swap3A_498], %swap3A_501 {strides = array<i32>} : memref<2x9x1x64x256xi32, #tpu.memory_space<vmem>>, vector<1x1x1x64x256xi32>,
    %ge3A_502 = arith.constant 32768 : i32
    %ge3A_503 = vector.broadcast %ge3A_502 : i32 to vector<64x256xi32>
    %ge3A_504 = arith.cmpi sge, %min3A_487, %ge3A_503 : vector<64x256xi32>
    %sub3A_505 = arith.constant 32768 : i32
    %sub3A_506 = vector.broadcast %sub3A_505 : i32 to vector<64x256xi32>
    %sub3A_507 = arith.subi %min3A_487, %sub3A_506 : vector<64x256xi32>
    %jit3A_508 = arith.constant -1 : i32
    %broadcast_in_dim3A_509 = vector.broadcast %jit3A_508 : i32 to vector<64x256xi32>
    %select_n3A_510 = arith.select %ge3A_504, %sub3A_507, %broadcast_in_dim3A_509 : vector<64x256xi1>, vector<64x256xi32>
    %swap3A_511 = arith.constant 1 : index
    %swap3A_512 = arith.constant 2 : index
    %swap3A_513 = arith.constant 0 : index
    %swap3A_514 = arith.constant 0 : index
    %swap3A_515 = arith.constant 0 : index
    %swap3A_516 = vector.load %arg8[%swap3A_511, %swap3A_512, %swap3A_513, %swap3A_514, %swap3A_515] : memref<2x9x1x64x256xi32, #tpu.memory_space<vmem>>, vector<1x1x1x64x256xi32>
    %swap3A_517 = vector.shape_cast %swap3A_516 : vector<1x1x1x64x256xi32> to vector<64x256xi32>
    %swap3A_518 = vector.shape_cast %select_n3A_510 : vector<64x256xi32> to vector<1x1x1x64x256xi32>
    tpu.vector_store %arg8[%swap3A_511, %swap3A_512, %swap3A_513, %swap3A_514, %swap3A_515], %swap3A_518 {strides = array<i32>} : memref<2x9x1x64x256xi32, #tpu.memory_space<vmem>>, vector<1x1x1x64x256xi32>,
    %add3A_519 = arith.addf %integer_pow3A_292, %integer_pow3A_298 : vector<64x256xf32>
    %sqrt3A_520 = math.sqrt %add3A_519 : vector<64x256xf32>
    %mul3A_521 = arith.constant 2.000000e+00 : f32
    %mul3A_522 = vector.broadcast %mul3A_521 : f32 to vector<64x256xf32>
    %mul3A_523 = arith.mulf %mul3A_522, %sqrt3A_520 : vector<64x256xf32>
    %sub3A_524 = arith.constant 1.000000e+00 : f32
    %sub3A_525 = vector.broadcast %sub3A_524 : f32 to vector<64x256xf32>
    %sub3A_526 = arith.subf %sub3A_525, %mul3A_523 : vector<64x256xf32>
    %mul3A_527 = arith.constant 6.000000e+00 : f32
    %mul3A_528 = vector.broadcast %mul3A_527 : f32 to vector<64x256xf32>
    %mul3A_529 = arith.mulf %mul3A_528, %sub3A_526 : vector<64x256xf32>
    %neg3A_530 = arith.constant 0.000000e+00 : f32
    %neg3A_531 = vector.broadcast %neg3A_530 : f32 to vector<64x256xf32>
    %neg3A_532 = arith.subf %neg3A_531, %mul3A_529 : vector<64x256xf32>
    %exp3A_533 = math.exp %neg3A_532 : vector<64x256xf32>
    %add3A_534 = arith.constant 1.000000e+00 : f32
    %add3A_535 = vector.broadcast %add3A_534 : f32 to vector<64x256xf32>
    %add3A_536 = arith.addf %add3A_535, %exp3A_533 : vector<64x256xf32>
    %div3A_537 = arith.constant 1.000000e+00 : f32
    %div3A_538 = vector.broadcast %div3A_537 : f32 to vector<64x256xf32>
    %div3A_539 = arith.divf %div3A_538, %add3A_536 : vector<64x256xf32>
    %mul3A_540 = arith.mulf %get3A_3, %div3A_539 : vector<64x256xf32>
    %broadcast_in_dim3A_541 = vector.shape_cast %mul3A_540 : vector<64x256xf32> to vector<64x256x1xf32>
    %broadcast_in_dim3A_542 = vector.shape_cast %broadcast_in_dim3A_541 : vector<64x256x1xf32> to vector<64x256x1xf32>
    %broadcast_in_dim3A_543 = vector.broadcast %broadcast_in_dim3A_542 : vector<64x256x1xf32> to vector<64x256x4xf32>
    %reshape3A_544 = vector.shape_cast %broadcast_in_dim3A_543 : vector<64x256x4xf32> to vector<64x1024xf32>
    %mul3A_545 = arith.mulf %reshape3A_544, %get3A_6 : vector<64x1024xf32>
    %swap3A_546 = arith.constant 3 : index
    %swap3A_547 = arith.constant 0 : index
    %swap3A_548 = arith.constant 0 : index
    %swap3A_549 = arith.constant 0 : index
    %swap3A_550 = vector.load %arg7[%swap3A_546, %swap3A_547, %swap3A_548, %swap3A_549] : memref<9x1x64x1024xf32, #tpu.memory_space<vmem>>, vector<1x1x64x1024xf32>
    %swap3A_551 = vector.shape_cast %swap3A_550 : vector<1x1x64x1024xf32> to vector<64x1024xf32>
    %swap3A_552 = vector.shape_cast %mul3A_545 : vector<64x1024xf32> to vector<1x1x64x1024xf32>
    tpu.vector_store %arg7[%swap3A_546, %swap3A_547, %swap3A_548, %swap3A_549], %swap3A_552 {strides = array<i32>} : memref<9x1x64x1024xf32, #tpu.memory_space<vmem>>, vector<1x1x64x1024xf32>,
    %mul3A_553 = arith.constant 256 : i32
    %mul3A_554 = vector.broadcast %mul3A_553 : i32 to vector<64x256xi32>
    %mul3A_555 = arith.muli %convert_element_type3A_279, %mul3A_554 : vector<64x256xi32>
    %add3A_556 = arith.addi %mul3A_555, %convert_element_type3A_283 : vector<64x256xi32>
    %jit3A_557 = arith.constant 0 : i32
    %jit3A_558 = arith.constant 65535 : i32
    %max3A_559 = vector.broadcast %jit3A_557 : i32 to vector<64x256xi32>
    %max3A_560 = arith.maxsi %max3A_559, %add3A_556 : vector<64x256xi32>
    %min3A_561 = vector.broadcast %jit3A_558 : i32 to vector<64x256xi32>
    %min3A_562 = arith.minsi %min3A_561, %max3A_560 : vector<64x256xi32>
    %lt3A_563 = arith.constant 32768 : i32
    %lt3A_564 = vector.broadcast %lt3A_563 : i32 to vector<64x256xi32>
    %lt3A_565 = arith.cmpi slt, %min3A_562, %lt3A_564 : vector<64x256xi32>
    %jit3A_566 = arith.constant -1 : i32
    %broadcast_in_dim3A_567 = vector.broadcast %jit3A_566 : i32 to vector<64x256xi32>
    %select_n3A_568 = arith.select %lt3A_565, %min3A_562, %broadcast_in_dim3A_567 : vector<64x256xi1>, vector<64x256xi32>
    %swap3A_569 = arith.constant 0 : index
    %swap3A_570 = arith.constant 3 : index
    %swap3A_571 = arith.constant 0 : index
    %swap3A_572 = arith.constant 0 : index
    %swap3A_573 = arith.constant 0 : index
    %swap3A_574 = vector.load %arg8[%swap3A_569, %swap3A_570, %swap3A_571, %swap3A_572, %swap3A_573] : memref<2x9x1x64x256xi32, #tpu.memory_space<vmem>>, vector<1x1x1x64x256xi32>
    %swap3A_575 = vector.shape_cast %swap3A_574 : vector<1x1x1x64x256xi32> to vector<64x256xi32>
    %swap3A_576 = vector.shape_cast %select_n3A_568 : vector<64x256xi32> to vector<1x1x1x64x256xi32>
    tpu.vector_store %arg8[%swap3A_569, %swap3A_570, %swap3A_571, %swap3A_572, %swap3A_573], %swap3A_576 {strides = array<i32>} : memref<2x9x1x64x256xi32, #tpu.memory_space<vmem>>, vector<1x1x1x64x256xi32>,
    %ge3A_577 = arith.constant 32768 : i32
    %ge3A_578 = vector.broadcast %ge3A_577 : i32 to vector<64x256xi32>
    %ge3A_579 = arith.cmpi sge, %min3A_562, %ge3A_578 : vector<64x256xi32>
    %sub3A_580 = arith.constant 32768 : i32
    %sub3A_581 = vector.broadcast %sub3A_580 : i32 to vector<64x256xi32>
    %sub3A_582 = arith.subi %min3A_562, %sub3A_581 : vector<64x256xi32>
    %jit3A_583 = arith.constant -1 : i32
    %broadcast_in_dim3A_584 = vector.broadcast %jit3A_583 : i32 to vector<64x256xi32>
    %select_n3A_585 = arith.select %ge3A_579, %sub3A_582, %broadcast_in_dim3A_584 : vector<64x256xi1>, vector<64x256xi32>
    %swap3A_586 = arith.constant 1 : index
    %swap3A_587 = arith.constant 3 : index
    %swap3A_588 = arith.constant 0 : index
    %swap3A_589 = arith.constant 0 : index
    %swap3A_590 = arith.constant 0 : index
    %swap3A_591 = vector.load %arg8[%swap3A_586, %swap3A_587, %swap3A_588, %swap3A_589, %swap3A_590] : memref<2x9x1x64x256xi32, #tpu.memory_space<vmem>>, vector<1x1x1x64x256xi32>
    %swap3A_592 = vector.shape_cast %swap3A_591 : vector<1x1x1x64x256xi32> to vector<64x256xi32>
    %swap3A_593 = vector.shape_cast %select_n3A_585 : vector<64x256xi32> to vector<1x1x1x64x256xi32>
    tpu.vector_store %arg8[%swap3A_586, %swap3A_587, %swap3A_588, %swap3A_589, %swap3A_590], %swap3A_593 {strides = array<i32>} : memref<2x9x1x64x256xi32, #tpu.memory_space<vmem>>, vector<1x1x1x64x256xi32>,
    %add3A_594 = arith.addf %integer_pow3A_292, %integer_pow3A_301 : vector<64x256xf32>
    %sqrt3A_595 = math.sqrt %add3A_594 : vector<64x256xf32>
    %mul3A_596 = arith.constant 2.000000e+00 : f32
    %mul3A_597 = vector.broadcast %mul3A_596 : f32 to vector<64x256xf32>
    %mul3A_598 = arith.mulf %mul3A_597, %sqrt3A_595 : vector<64x256xf32>
    %sub3A_599 = arith.constant 1.000000e+00 : f32
    %sub3A_600 = vector.broadcast %sub3A_599 : f32 to vector<64x256xf32>
    %sub3A_601 = arith.subf %sub3A_600, %mul3A_598 : vector<64x256xf32>
    %mul3A_602 = arith.constant 6.000000e+00 : f32
    %mul3A_603 = vector.broadcast %mul3A_602 : f32 to vector<64x256xf32>
    %mul3A_604 = arith.mulf %mul3A_603, %sub3A_601 : vector<64x256xf32>
    %neg3A_605 = arith.constant 0.000000e+00 : f32
    %neg3A_606 = vector.broadcast %neg3A_605 : f32 to vector<64x256xf32>
    %neg3A_607 = arith.subf %neg3A_606, %mul3A_604 : vector<64x256xf32>
    %exp3A_608 = math.exp %neg3A_607 : vector<64x256xf32>
    %add3A_609 = arith.constant 1.000000e+00 : f32
    %add3A_610 = vector.broadcast %add3A_609 : f32 to vector<64x256xf32>
    %add3A_611 = arith.addf %add3A_610, %exp3A_608 : vector<64x256xf32>
    %div3A_612 = arith.constant 1.000000e+00 : f32
    %div3A_613 = vector.broadcast %div3A_612 : f32 to vector<64x256xf32>
    %div3A_614 = arith.divf %div3A_613, %add3A_611 : vector<64x256xf32>
    %mul3A_615 = arith.mulf %get3A_3, %div3A_614 : vector<64x256xf32>
    %broadcast_in_dim3A_616 = vector.shape_cast %mul3A_615 : vector<64x256xf32> to vector<64x256x1xf32>
    %broadcast_in_dim3A_617 = vector.shape_cast %broadcast_in_dim3A_616 : vector<64x256x1xf32> to vector<64x256x1xf32>
    %broadcast_in_dim3A_618 = vector.broadcast %broadcast_in_dim3A_617 : vector<64x256x1xf32> to vector<64x256x4xf32>
    %reshape3A_619 = vector.shape_cast %broadcast_in_dim3A_618 : vector<64x256x4xf32> to vector<64x1024xf32>
    %mul3A_620 = arith.mulf %reshape3A_619, %get3A_6 : vector<64x1024xf32>
    %swap3A_621 = arith.constant 4 : index
    %swap3A_622 = arith.constant 0 : index
    %swap3A_623 = arith.constant 0 : index
    %swap3A_624 = arith.constant 0 : index
    %swap3A_625 = vector.load %arg7[%swap3A_621, %swap3A_622, %swap3A_623, %swap3A_624] : memref<9x1x64x1024xf32, #tpu.memory_space<vmem>>, vector<1x1x64x1024xf32>
    %swap3A_626 = vector.shape_cast %swap3A_625 : vector<1x1x64x1024xf32> to vector<64x1024xf32>
    %swap3A_627 = vector.shape_cast %mul3A_620 : vector<64x1024xf32> to vector<1x1x64x1024xf32>
    tpu.vector_store %arg7[%swap3A_621, %swap3A_622, %swap3A_623, %swap3A_624], %swap3A_627 {strides = array<i32>} : memref<9x1x64x1024xf32, #tpu.memory_space<vmem>>, vector<1x1x64x1024xf32>,
    %mul3A_628 = arith.constant 256 : i32
    %mul3A_629 = vector.broadcast %mul3A_628 : i32 to vector<64x256xi32>
    %mul3A_630 = arith.muli %convert_element_type3A_279, %mul3A_629 : vector<64x256xi32>
    %add3A_631 = arith.addi %mul3A_630, %convert_element_type3A_285 : vector<64x256xi32>
    %jit3A_632 = arith.constant 0 : i32
    %jit3A_633 = arith.constant 65535 : i32
    %max3A_634 = vector.broadcast %jit3A_632 : i32 to vector<64x256xi32>
    %max3A_635 = arith.maxsi %max3A_634, %add3A_631 : vector<64x256xi32>
    %min3A_636 = vector.broadcast %jit3A_633 : i32 to vector<64x256xi32>
    %min3A_637 = arith.minsi %min3A_636, %max3A_635 : vector<64x256xi32>
    %lt3A_638 = arith.constant 32768 : i32
    %lt3A_639 = vector.broadcast %lt3A_638 : i32 to vector<64x256xi32>
    %lt3A_640 = arith.cmpi slt, %min3A_637, %lt3A_639 : vector<64x256xi32>
    %jit3A_641 = arith.constant -1 : i32
    %broadcast_in_dim3A_642 = vector.broadcast %jit3A_641 : i32 to vector<64x256xi32>
    %select_n3A_643 = arith.select %lt3A_640, %min3A_637, %broadcast_in_dim3A_642 : vector<64x256xi1>, vector<64x256xi32>
    %swap3A_644 = arith.constant 0 : index
    %swap3A_645 = arith.constant 4 : index
    %swap3A_646 = arith.constant 0 : index
    %swap3A_647 = arith.constant 0 : index
    %swap3A_648 = arith.constant 0 : index
    %swap3A_649 = vector.load %arg8[%swap3A_644, %swap3A_645, %swap3A_646, %swap3A_647, %swap3A_648] : memref<2x9x1x64x256xi32, #tpu.memory_space<vmem>>, vector<1x1x1x64x256xi32>
    %swap3A_650 = vector.shape_cast %swap3A_649 : vector<1x1x1x64x256xi32> to vector<64x256xi32>
    %swap3A_651 = vector.shape_cast %select_n3A_643 : vector<64x256xi32> to vector<1x1x1x64x256xi32>
    tpu.vector_store %arg8[%swap3A_644, %swap3A_645, %swap3A_646, %swap3A_647, %swap3A_648], %swap3A_651 {strides = array<i32>} : memref<2x9x1x64x256xi32, #tpu.memory_space<vmem>>, vector<1x1x1x64x256xi32>,
    %ge3A_652 = arith.constant 32768 : i32
    %ge3A_653 = vector.broadcast %ge3A_652 : i32 to vector<64x256xi32>
    %ge3A_654 = arith.cmpi sge, %min3A_637, %ge3A_653 : vector<64x256xi32>
    %sub3A_655 = arith.constant 32768 : i32
    %sub3A_656 = vector.broadcast %sub3A_655 : i32 to vector<64x256xi32>
    %sub3A_657 = arith.subi %min3A_637, %sub3A_656 : vector<64x256xi32>
    %jit3A_658 = arith.constant -1 : i32
    %broadcast_in_dim3A_659 = vector.broadcast %jit3A_658 : i32 to vector<64x256xi32>
    %select_n3A_660 = arith.select %ge3A_654, %sub3A_657, %broadcast_in_dim3A_659 : vector<64x256xi1>, vector<64x256xi32>
    %swap3A_661 = arith.constant 1 : index
    %swap3A_662 = arith.constant 4 : index
    %swap3A_663 = arith.constant 0 : index
    %swap3A_664 = arith.constant 0 : index
    %swap3A_665 = arith.constant 0 : index
    %swap3A_666 = vector.load %arg8[%swap3A_661, %swap3A_662, %swap3A_663, %swap3A_664, %swap3A_665] : memref<2x9x1x64x256xi32, #tpu.memory_space<vmem>>, vector<1x1x1x64x256xi32>
    %swap3A_667 = vector.shape_cast %swap3A_666 : vector<1x1x1x64x256xi32> to vector<64x256xi32>
    %swap3A_668 = vector.shape_cast %select_n3A_660 : vector<64x256xi32> to vector<1x1x1x64x256xi32>
    tpu.vector_store %arg8[%swap3A_661, %swap3A_662, %swap3A_663, %swap3A_664, %swap3A_665], %swap3A_668 {strides = array<i32>} : memref<2x9x1x64x256xi32, #tpu.memory_space<vmem>>, vector<1x1x1x64x256xi32>,
    %add3A_669 = arith.addf %integer_pow3A_292, %integer_pow3A_304 : vector<64x256xf32>
    %sqrt3A_670 = math.sqrt %add3A_669 : vector<64x256xf32>
    %mul3A_671 = arith.constant 2.000000e+00 : f32
    %mul3A_672 = vector.broadcast %mul3A_671 : f32 to vector<64x256xf32>
    %mul3A_673 = arith.mulf %mul3A_672, %sqrt3A_670 : vector<64x256xf32>
    %sub3A_674 = arith.constant 1.000000e+00 : f32
    %sub3A_675 = vector.broadcast %sub3A_674 : f32 to vector<64x256xf32>
    %sub3A_676 = arith.subf %sub3A_675, %mul3A_673 : vector<64x256xf32>
    %mul3A_677 = arith.constant 6.000000e+00 : f32
    %mul3A_678 = vector.broadcast %mul3A_677 : f32 to vector<64x256xf32>
    %mul3A_679 = arith.mulf %mul3A_678, %sub3A_676 : vector<64x256xf32>
    %neg3A_680 = arith.constant 0.000000e+00 : f32
    %neg3A_681 = vector.broadcast %neg3A_680 : f32 to vector<64x256xf32>
    %neg3A_682 = arith.subf %neg3A_681, %mul3A_679 : vector<64x256xf32>
    %exp3A_683 = math.exp %neg3A_682 : vector<64x256xf32>
    %add3A_684 = arith.constant 1.000000e+00 : f32
    %add3A_685 = vector.broadcast %add3A_684 : f32 to vector<64x256xf32>
    %add3A_686 = arith.addf %add3A_685, %exp3A_683 : vector<64x256xf32>
    %div3A_687 = arith.constant 1.000000e+00 : f32
    %div3A_688 = vector.broadcast %div3A_687 : f32 to vector<64x256xf32>
    %div3A_689 = arith.divf %div3A_688, %add3A_686 : vector<64x256xf32>
    %mul3A_690 = arith.mulf %get3A_3, %div3A_689 : vector<64x256xf32>
    %broadcast_in_dim3A_691 = vector.shape_cast %mul3A_690 : vector<64x256xf32> to vector<64x256x1xf32>
    %broadcast_in_dim3A_692 = vector.shape_cast %broadcast_in_dim3A_691 : vector<64x256x1xf32> to vector<64x256x1xf32>
    %broadcast_in_dim3A_693 = vector.broadcast %broadcast_in_dim3A_692 : vector<64x256x1xf32> to vector<64x256x4xf32>
    %reshape3A_694 = vector.shape_cast %broadcast_in_dim3A_693 : vector<64x256x4xf32> to vector<64x1024xf32>
    %mul3A_695 = arith.mulf %reshape3A_694, %get3A_6 : vector<64x1024xf32>
    %swap3A_696 = arith.constant 5 : index
    %swap3A_697 = arith.constant 0 : index
    %swap3A_698 = arith.constant 0 : index
    %swap3A_699 = arith.constant 0 : index
    %swap3A_700 = vector.load %arg7[%swap3A_696, %swap3A_697, %swap3A_698, %swap3A_699] : memref<9x1x64x1024xf32, #tpu.memory_space<vmem>>, vector<1x1x64x1024xf32>
    %swap3A_701 = vector.shape_cast %swap3A_700 : vector<1x1x64x1024xf32> to vector<64x1024xf32>
    %swap3A_702 = vector.shape_cast %mul3A_695 : vector<64x1024xf32> to vector<1x1x64x1024xf32>
    tpu.vector_store %arg7[%swap3A_696, %swap3A_697, %swap3A_698, %swap3A_699], %swap3A_702 {strides = array<i32>} : memref<9x1x64x1024xf32, #tpu.memory_space<vmem>>, vector<1x1x64x1024xf32>,
    %mul3A_703 = arith.constant 256 : i32
    %mul3A_704 = vector.broadcast %mul3A_703 : i32 to vector<64x256xi32>
    %mul3A_705 = arith.muli %convert_element_type3A_279, %mul3A_704 : vector<64x256xi32>
    %add3A_706 = arith.addi %mul3A_705, %convert_element_type3A_287 : vector<64x256xi32>
    %jit3A_707 = arith.constant 0 : i32
    %jit3A_708 = arith.constant 65535 : i32
    %max3A_709 = vector.broadcast %jit3A_707 : i32 to vector<64x256xi32>
    %max3A_710 = arith.maxsi %max3A_709, %add3A_706 : vector<64x256xi32>
    %min3A_711 = vector.broadcast %jit3A_708 : i32 to vector<64x256xi32>
    %min3A_712 = arith.minsi %min3A_711, %max3A_710 : vector<64x256xi32>
    %lt3A_713 = arith.constant 32768 : i32
    %lt3A_714 = vector.broadcast %lt3A_713 : i32 to vector<64x256xi32>
    %lt3A_715 = arith.cmpi slt, %min3A_712, %lt3A_714 : vector<64x256xi32>
    %jit3A_716 = arith.constant -1 : i32
    %broadcast_in_dim3A_717 = vector.broadcast %jit3A_716 : i32 to vector<64x256xi32>
    %select_n3A_718 = arith.select %lt3A_715, %min3A_712, %broadcast_in_dim3A_717 : vector<64x256xi1>, vector<64x256xi32>
    %swap3A_719 = arith.constant 0 : index
    %swap3A_720 = arith.constant 5 : index
    %swap3A_721 = arith.constant 0 : index
    %swap3A_722 = arith.constant 0 : index
    %swap3A_723 = arith.constant 0 : index
    %swap3A_724 = vector.load %arg8[%swap3A_719, %swap3A_720, %swap3A_721, %swap3A_722, %swap3A_723] : memref<2x9x1x64x256xi32, #tpu.memory_space<vmem>>, vector<1x1x1x64x256xi32>
    %swap3A_725 = vector.shape_cast %swap3A_724 : vector<1x1x1x64x256xi32> to vector<64x256xi32>
    %swap3A_726 = vector.shape_cast %select_n3A_718 : vector<64x256xi32> to vector<1x1x1x64x256xi32>
    tpu.vector_store %arg8[%swap3A_719, %swap3A_720, %swap3A_721, %swap3A_722, %swap3A_723], %swap3A_726 {strides = array<i32>} : memref<2x9x1x64x256xi32, #tpu.memory_space<vmem>>, vector<1x1x1x64x256xi32>,
    %ge3A_727 = arith.constant 32768 : i32
    %ge3A_728 = vector.broadcast %ge3A_727 : i32 to vector<64x256xi32>
    %ge3A_729 = arith.cmpi sge, %min3A_712, %ge3A_728 : vector<64x256xi32>
    %sub3A_730 = arith.constant 32768 : i32
    %sub3A_731 = vector.broadcast %sub3A_730 : i32 to vector<64x256xi32>
    %sub3A_732 = arith.subi %min3A_712, %sub3A_731 : vector<64x256xi32>
    %jit3A_733 = arith.constant -1 : i32
    %broadcast_in_dim3A_734 = vector.broadcast %jit3A_733 : i32 to vector<64x256xi32>
    %select_n3A_735 = arith.select %ge3A_729, %sub3A_732, %broadcast_in_dim3A_734 : vector<64x256xi1>, vector<64x256xi32>
    %swap3A_736 = arith.constant 1 : index
    %swap3A_737 = arith.constant 5 : index
    %swap3A_738 = arith.constant 0 : index
    %swap3A_739 = arith.constant 0 : index
    %swap3A_740 = arith.constant 0 : index
    %swap3A_741 = vector.load %arg8[%swap3A_736, %swap3A_737, %swap3A_738, %swap3A_739, %swap3A_740] : memref<2x9x1x64x256xi32, #tpu.memory_space<vmem>>, vector<1x1x1x64x256xi32>
    %swap3A_742 = vector.shape_cast %swap3A_741 : vector<1x1x1x64x256xi32> to vector<64x256xi32>
    %swap3A_743 = vector.shape_cast %select_n3A_735 : vector<64x256xi32> to vector<1x1x1x64x256xi32>
    tpu.vector_store %arg8[%swap3A_736, %swap3A_737, %swap3A_738, %swap3A_739, %swap3A_740], %swap3A_743 {strides = array<i32>} : memref<2x9x1x64x256xi32, #tpu.memory_space<vmem>>, vector<1x1x1x64x256xi32>,
    %add3A_744 = arith.addf %integer_pow3A_295, %integer_pow3A_298 : vector<64x256xf32>
    %sqrt3A_745 = math.sqrt %add3A_744 : vector<64x256xf32>
    %mul3A_746 = arith.constant 2.000000e+00 : f32
    %mul3A_747 = vector.broadcast %mul3A_746 : f32 to vector<64x256xf32>
    %mul3A_748 = arith.mulf %mul3A_747, %sqrt3A_745 : vector<64x256xf32>
    %sub3A_749 = arith.constant 1.000000e+00 : f32
    %sub3A_750 = vector.broadcast %sub3A_749 : f32 to vector<64x256xf32>
    %sub3A_751 = arith.subf %sub3A_750, %mul3A_748 : vector<64x256xf32>
    %mul3A_752 = arith.constant 6.000000e+00 : f32
    %mul3A_753 = vector.broadcast %mul3A_752 : f32 to vector<64x256xf32>
    %mul3A_754 = arith.mulf %mul3A_753, %sub3A_751 : vector<64x256xf32>
    %neg3A_755 = arith.constant 0.000000e+00 : f32
    %neg3A_756 = vector.broadcast %neg3A_755 : f32 to vector<64x256xf32>
    %neg3A_757 = arith.subf %neg3A_756, %mul3A_754 : vector<64x256xf32>
    %exp3A_758 = math.exp %neg3A_757 : vector<64x256xf32>
    %add3A_759 = arith.constant 1.000000e+00 : f32
    %add3A_760 = vector.broadcast %add3A_759 : f32 to vector<64x256xf32>
    %add3A_761 = arith.addf %add3A_760, %exp3A_758 : vector<64x256xf32>
    %div3A_762 = arith.constant 1.000000e+00 : f32
    %div3A_763 = vector.broadcast %div3A_762 : f32 to vector<64x256xf32>
    %div3A_764 = arith.divf %div3A_763, %add3A_761 : vector<64x256xf32>
    %mul3A_765 = arith.mulf %get3A_3, %div3A_764 : vector<64x256xf32>
    %broadcast_in_dim3A_766 = vector.shape_cast %mul3A_765 : vector<64x256xf32> to vector<64x256x1xf32>
    %broadcast_in_dim3A_767 = vector.shape_cast %broadcast_in_dim3A_766 : vector<64x256x1xf32> to vector<64x256x1xf32>
    %broadcast_in_dim3A_768 = vector.broadcast %broadcast_in_dim3A_767 : vector<64x256x1xf32> to vector<64x256x4xf32>
    %reshape3A_769 = vector.shape_cast %broadcast_in_dim3A_768 : vector<64x256x4xf32> to vector<64x1024xf32>
    %mul3A_770 = arith.mulf %reshape3A_769, %get3A_6 : vector<64x1024xf32>
    %swap3A_771 = arith.constant 6 : index
    %swap3A_772 = arith.constant 0 : index
    %swap3A_773 = arith.constant 0 : index
    %swap3A_774 = arith.constant 0 : index
    %swap3A_775 = vector.load %arg7[%swap3A_771, %swap3A_772, %swap3A_773, %swap3A_774] : memref<9x1x64x1024xf32, #tpu.memory_space<vmem>>, vector<1x1x64x1024xf32>
    %swap3A_776 = vector.shape_cast %swap3A_775 : vector<1x1x64x1024xf32> to vector<64x1024xf32>
    %swap3A_777 = vector.shape_cast %mul3A_770 : vector<64x1024xf32> to vector<1x1x64x1024xf32>
    tpu.vector_store %arg7[%swap3A_771, %swap3A_772, %swap3A_773, %swap3A_774], %swap3A_777 {strides = array<i32>} : memref<9x1x64x1024xf32, #tpu.memory_space<vmem>>, vector<1x1x64x1024xf32>,
    %mul3A_778 = arith.constant 256 : i32
    %mul3A_779 = vector.broadcast %mul3A_778 : i32 to vector<64x256xi32>
    %mul3A_780 = arith.muli %convert_element_type3A_281, %mul3A_779 : vector<64x256xi32>
    %add3A_781 = arith.addi %mul3A_780, %convert_element_type3A_283 : vector<64x256xi32>
    %jit3A_782 = arith.constant 0 : i32
    %jit3A_783 = arith.constant 65535 : i32
    %max3A_784 = vector.broadcast %jit3A_782 : i32 to vector<64x256xi32>
    %max3A_785 = arith.maxsi %max3A_784, %add3A_781 : vector<64x256xi32>
    %min3A_786 = vector.broadcast %jit3A_783 : i32 to vector<64x256xi32>
    %min3A_787 = arith.minsi %min3A_786, %max3A_785 : vector<64x256xi32>
    %lt3A_788 = arith.constant 32768 : i32
    %lt3A_789 = vector.broadcast %lt3A_788 : i32 to vector<64x256xi32>
    %lt3A_790 = arith.cmpi slt, %min3A_787, %lt3A_789 : vector<64x256xi32>
    %jit3A_791 = arith.constant -1 : i32
    %broadcast_in_dim3A_792 = vector.broadcast %jit3A_791 : i32 to vector<64x256xi32>
    %select_n3A_793 = arith.select %lt3A_790, %min3A_787, %broadcast_in_dim3A_792 : vector<64x256xi1>, vector<64x256xi32>
    %swap3A_794 = arith.constant 0 : index
    %swap3A_795 = arith.constant 6 : index
    %swap3A_796 = arith.constant 0 : index
    %swap3A_797 = arith.constant 0 : index
    %swap3A_798 = arith.constant 0 : index
    %swap3A_799 = vector.load %arg8[%swap3A_794, %swap3A_795, %swap3A_796, %swap3A_797, %swap3A_798] : memref<2x9x1x64x256xi32, #tpu.memory_space<vmem>>, vector<1x1x1x64x256xi32>
    %swap3A_800 = vector.shape_cast %swap3A_799 : vector<1x1x1x64x256xi32> to vector<64x256xi32>
    %swap3A_801 = vector.shape_cast %select_n3A_793 : vector<64x256xi32> to vector<1x1x1x64x256xi32>
    tpu.vector_store %arg8[%swap3A_794, %swap3A_795, %swap3A_796, %swap3A_797, %swap3A_798], %swap3A_801 {strides = array<i32>} : memref<2x9x1x64x256xi32, #tpu.memory_space<vmem>>, vector<1x1x1x64x256xi32>,
    %ge3A_802 = arith.constant 32768 : i32
    %ge3A_803 = vector.broadcast %ge3A_802 : i32 to vector<64x256xi32>
    %ge3A_804 = arith.cmpi sge, %min3A_787, %ge3A_803 : vector<64x256xi32>
    %sub3A_805 = arith.constant 32768 : i32
    %sub3A_806 = vector.broadcast %sub3A_805 : i32 to vector<64x256xi32>
    %sub3A_807 = arith.subi %min3A_787, %sub3A_806 : vector<64x256xi32>
    %jit3A_808 = arith.constant -1 : i32
    %broadcast_in_dim3A_809 = vector.broadcast %jit3A_808 : i32 to vector<64x256xi32>
    %select_n3A_810 = arith.select %ge3A_804, %sub3A_807, %broadcast_in_dim3A_809 : vector<64x256xi1>, vector<64x256xi32>
    %swap3A_811 = arith.constant 1 : index
    %swap3A_812 = arith.constant 6 : index
    %swap3A_813 = arith.constant 0 : index
    %swap3A_814 = arith.constant 0 : index
    %swap3A_815 = arith.constant 0 : index
    %swap3A_816 = vector.load %arg8[%swap3A_811, %swap3A_812, %swap3A_813, %swap3A_814, %swap3A_815] : memref<2x9x1x64x256xi32, #tpu.memory_space<vmem>>, vector<1x1x1x64x256xi32>
    %swap3A_817 = vector.shape_cast %swap3A_816 : vector<1x1x1x64x256xi32> to vector<64x256xi32>
    %swap3A_818 = vector.shape_cast %select_n3A_810 : vector<64x256xi32> to vector<1x1x1x64x256xi32>
    tpu.vector_store %arg8[%swap3A_811, %swap3A_812, %swap3A_813, %swap3A_814, %swap3A_815], %swap3A_818 {strides = array<i32>} : memref<2x9x1x64x256xi32, #tpu.memory_space<vmem>>, vector<1x1x1x64x256xi32>,
    %add3A_819 = arith.addf %integer_pow3A_295, %integer_pow3A_301 : vector<64x256xf32>
    %sqrt3A_820 = math.sqrt %add3A_819 : vector<64x256xf32>
    %mul3A_821 = arith.constant 2.000000e+00 : f32
    %mul3A_822 = vector.broadcast %mul3A_821 : f32 to vector<64x256xf32>
    %mul3A_823 = arith.mulf %mul3A_822, %sqrt3A_820 : vector<64x256xf32>
    %sub3A_824 = arith.constant 1.000000e+00 : f32
    %sub3A_825 = vector.broadcast %sub3A_824 : f32 to vector<64x256xf32>
    %sub3A_826 = arith.subf %sub3A_825, %mul3A_823 : vector<64x256xf32>
    %mul3A_827 = arith.constant 6.000000e+00 : f32
    %mul3A_828 = vector.broadcast %mul3A_827 : f32 to vector<64x256xf32>
    %mul3A_829 = arith.mulf %mul3A_828, %sub3A_826 : vector<64x256xf32>
    %neg3A_830 = arith.constant 0.000000e+00 : f32
    %neg3A_831 = vector.broadcast %neg3A_830 : f32 to vector<64x256xf32>
    %neg3A_832 = arith.subf %neg3A_831, %mul3A_829 : vector<64x256xf32>
    %exp3A_833 = math.exp %neg3A_832 : vector<64x256xf32>
    %add3A_834 = arith.constant 1.000000e+00 : f32
    %add3A_835 = vector.broadcast %add3A_834 : f32 to vector<64x256xf32>
    %add3A_836 = arith.addf %add3A_835, %exp3A_833 : vector<64x256xf32>
    %div3A_837 = arith.constant 1.000000e+00 : f32
    %div3A_838 = vector.broadcast %div3A_837 : f32 to vector<64x256xf32>
    %div3A_839 = arith.divf %div3A_838, %add3A_836 : vector<64x256xf32>
    %mul3A_840 = arith.mulf %get3A_3, %div3A_839 : vector<64x256xf32>
    %broadcast_in_dim3A_841 = vector.shape_cast %mul3A_840 : vector<64x256xf32> to vector<64x256x1xf32>
    %broadcast_in_dim3A_842 = vector.shape_cast %broadcast_in_dim3A_841 : vector<64x256x1xf32> to vector<64x256x1xf32>
    %broadcast_in_dim3A_843 = vector.broadcast %broadcast_in_dim3A_842 : vector<64x256x1xf32> to vector<64x256x4xf32>
    %reshape3A_844 = vector.shape_cast %broadcast_in_dim3A_843 : vector<64x256x4xf32> to vector<64x1024xf32>
    %mul3A_845 = arith.mulf %reshape3A_844, %get3A_6 : vector<64x1024xf32>
    %swap3A_846 = arith.constant 7 : index
    %swap3A_847 = arith.constant 0 : index
    %swap3A_848 = arith.constant 0 : index
    %swap3A_849 = arith.constant 0 : index
    %swap3A_850 = vector.load %arg7[%swap3A_846, %swap3A_847, %swap3A_848, %swap3A_849] : memref<9x1x64x1024xf32, #tpu.memory_space<vmem>>, vector<1x1x64x1024xf32>
    %swap3A_851 = vector.shape_cast %swap3A_850 : vector<1x1x64x1024xf32> to vector<64x1024xf32>
    %swap3A_852 = vector.shape_cast %mul3A_845 : vector<64x1024xf32> to vector<1x1x64x1024xf32>
    tpu.vector_store %arg7[%swap3A_846, %swap3A_847, %swap3A_848, %swap3A_849], %swap3A_852 {strides = array<i32>} : memref<9x1x64x1024xf32, #tpu.memory_space<vmem>>, vector<1x1x64x1024xf32>,
    %mul3A_853 = arith.constant 256 : i32
    %mul3A_854 = vector.broadcast %mul3A_853 : i32 to vector<64x256xi32>
    %mul3A_855 = arith.muli %convert_element_type3A_281, %mul3A_854 : vector<64x256xi32>
    %add3A_856 = arith.addi %mul3A_855, %convert_element_type3A_285 : vector<64x256xi32>
    %jit3A_857 = arith.constant 0 : i32
    %jit3A_858 = arith.constant 65535 : i32
    %max3A_859 = vector.broadcast %jit3A_857 : i32 to vector<64x256xi32>
    %max3A_860 = arith.maxsi %max3A_859, %add3A_856 : vector<64x256xi32>
    %min3A_861 = vector.broadcast %jit3A_858 : i32 to vector<64x256xi32>
    %min3A_862 = arith.minsi %min3A_861, %max3A_860 : vector<64x256xi32>
    %lt3A_863 = arith.constant 32768 : i32
    %lt3A_864 = vector.broadcast %lt3A_863 : i32 to vector<64x256xi32>
    %lt3A_865 = arith.cmpi slt, %min3A_862, %lt3A_864 : vector<64x256xi32>
    %jit3A_866 = arith.constant -1 : i32
    %broadcast_in_dim3A_867 = vector.broadcast %jit3A_866 : i32 to vector<64x256xi32>
    %select_n3A_868 = arith.select %lt3A_865, %min3A_862, %broadcast_in_dim3A_867 : vector<64x256xi1>, vector<64x256xi32>
    %swap3A_869 = arith.constant 0 : index
    %swap3A_870 = arith.constant 7 : index
    %swap3A_871 = arith.constant 0 : index
    %swap3A_872 = arith.constant 0 : index
    %swap3A_873 = arith.constant 0 : index
    %swap3A_874 = vector.load %arg8[%swap3A_869, %swap3A_870, %swap3A_871, %swap3A_872, %swap3A_873] : memref<2x9x1x64x256xi32, #tpu.memory_space<vmem>>, vector<1x1x1x64x256xi32>
    %swap3A_875 = vector.shape_cast %swap3A_874 : vector<1x1x1x64x256xi32> to vector<64x256xi32>
    %swap3A_876 = vector.shape_cast %select_n3A_868 : vector<64x256xi32> to vector<1x1x1x64x256xi32>
    tpu.vector_store %arg8[%swap3A_869, %swap3A_870, %swap3A_871, %swap3A_872, %swap3A_873], %swap3A_876 {strides = array<i32>} : memref<2x9x1x64x256xi32, #tpu.memory_space<vmem>>, vector<1x1x1x64x256xi32>,
    %ge3A_877 = arith.constant 32768 : i32
    %ge3A_878 = vector.broadcast %ge3A_877 : i32 to vector<64x256xi32>
    %ge3A_879 = arith.cmpi sge, %min3A_862, %ge3A_878 : vector<64x256xi32>
    %sub3A_880 = arith.constant 32768 : i32
    %sub3A_881 = vector.broadcast %sub3A_880 : i32 to vector<64x256xi32>
    %sub3A_882 = arith.subi %min3A_862, %sub3A_881 : vector<64x256xi32>
    %jit3A_883 = arith.constant -1 : i32
    %broadcast_in_dim3A_884 = vector.broadcast %jit3A_883 : i32 to vector<64x256xi32>
    %select_n3A_885 = arith.select %ge3A_879, %sub3A_882, %broadcast_in_dim3A_884 : vector<64x256xi1>, vector<64x256xi32>
    %swap3A_886 = arith.constant 1 : index
    %swap3A_887 = arith.constant 7 : index
    %swap3A_888 = arith.constant 0 : index
    %swap3A_889 = arith.constant 0 : index
    %swap3A_890 = arith.constant 0 : index
    %swap3A_891 = vector.load %arg8[%swap3A_886, %swap3A_887, %swap3A_888, %swap3A_889, %swap3A_890] : memref<2x9x1x64x256xi32, #tpu.memory_space<vmem>>, vector<1x1x1x64x256xi32>
    %swap3A_892 = vector.shape_cast %swap3A_891 : vector<1x1x1x64x256xi32> to vector<64x256xi32>
    %swap3A_893 = vector.shape_cast %select_n3A_885 : vector<64x256xi32> to vector<1x1x1x64x256xi32>
    tpu.vector_store %arg8[%swap3A_886, %swap3A_887, %swap3A_888, %swap3A_889, %swap3A_890], %swap3A_893 {strides = array<i32>} : memref<2x9x1x64x256xi32, #tpu.memory_space<vmem>>, vector<1x1x1x64x256xi32>,
    %add3A_894 = arith.addf %integer_pow3A_295, %integer_pow3A_304 : vector<64x256xf32>
    %sqrt3A_895 = math.sqrt %add3A_894 : vector<64x256xf32>
    %mul3A_896 = arith.constant 2.000000e+00 : f32
    %mul3A_897 = vector.broadcast %mul3A_896 : f32 to vector<64x256xf32>
    %mul3A_898 = arith.mulf %mul3A_897, %sqrt3A_895 : vector<64x256xf32>
    %sub3A_899 = arith.constant 1.000000e+00 : f32
    %sub3A_900 = vector.broadcast %sub3A_899 : f32 to vector<64x256xf32>
    %sub3A_901 = arith.subf %sub3A_900, %mul3A_898 : vector<64x256xf32>
    %mul3A_902 = arith.constant 6.000000e+00 : f32
    %mul3A_903 = vector.broadcast %mul3A_902 : f32 to vector<64x256xf32>
    %mul3A_904 = arith.mulf %mul3A_903, %sub3A_901 : vector<64x256xf32>
    %neg3A_905 = arith.constant 0.000000e+00 : f32
    %neg3A_906 = vector.broadcast %neg3A_905 : f32 to vector<64x256xf32>
    %neg3A_907 = arith.subf %neg3A_906, %mul3A_904 : vector<64x256xf32>
    %exp3A_908 = math.exp %neg3A_907 : vector<64x256xf32>
    %add3A_909 = arith.constant 1.000000e+00 : f32
    %add3A_910 = vector.broadcast %add3A_909 : f32 to vector<64x256xf32>
    %add3A_911 = arith.addf %add3A_910, %exp3A_908 : vector<64x256xf32>
    %div3A_912 = arith.constant 1.000000e+00 : f32
    %div3A_913 = vector.broadcast %div3A_912 : f32 to vector<64x256xf32>
    %div3A_914 = arith.divf %div3A_913, %add3A_911 : vector<64x256xf32>
    %mul3A_915 = arith.mulf %get3A_3, %div3A_914 : vector<64x256xf32>
    %broadcast_in_dim3A_916 = vector.shape_cast %mul3A_915 : vector<64x256xf32> to vector<64x256x1xf32>
    %broadcast_in_dim3A_917 = vector.shape_cast %broadcast_in_dim3A_916 : vector<64x256x1xf32> to vector<64x256x1xf32>
    %broadcast_in_dim3A_918 = vector.broadcast %broadcast_in_dim3A_917 : vector<64x256x1xf32> to vector<64x256x4xf32>
    %reshape3A_919 = vector.shape_cast %broadcast_in_dim3A_918 : vector<64x256x4xf32> to vector<64x1024xf32>
    %mul3A_920 = arith.mulf %reshape3A_919, %get3A_6 : vector<64x1024xf32>
    %swap3A_921 = arith.constant 8 : index
    %swap3A_922 = arith.constant 0 : index
    %swap3A_923 = arith.constant 0 : index
    %swap3A_924 = arith.constant 0 : index
    %swap3A_925 = vector.load %arg7[%swap3A_921, %swap3A_922, %swap3A_923, %swap3A_924] : memref<9x1x64x1024xf32, #tpu.memory_space<vmem>>, vector<1x1x64x1024xf32>
    %swap3A_926 = vector.shape_cast %swap3A_925 : vector<1x1x64x1024xf32> to vector<64x1024xf32>
    %swap3A_927 = vector.shape_cast %mul3A_920 : vector<64x1024xf32> to vector<1x1x64x1024xf32>
    tpu.vector_store %arg7[%swap3A_921, %swap3A_922, %swap3A_923, %swap3A_924], %swap3A_927 {strides = array<i32>} : memref<9x1x64x1024xf32, #tpu.memory_space<vmem>>, vector<1x1x64x1024xf32>,
    %mul3A_928 = arith.constant 256 : i32
    %mul3A_929 = vector.broadcast %mul3A_928 : i32 to vector<64x256xi32>
    %mul3A_930 = arith.muli %convert_element_type3A_281, %mul3A_929 : vector<64x256xi32>
    %add3A_931 = arith.addi %mul3A_930, %convert_element_type3A_287 : vector<64x256xi32>
    %jit3A_932 = arith.constant 0 : i32
    %jit3A_933 = arith.constant 65535 : i32
    %max3A_934 = vector.broadcast %jit3A_932 : i32 to vector<64x256xi32>
    %max3A_935 = arith.maxsi %max3A_934, %add3A_931 : vector<64x256xi32>
    %min3A_936 = vector.broadcast %jit3A_933 : i32 to vector<64x256xi32>
    %min3A_937 = arith.minsi %min3A_936, %max3A_935 : vector<64x256xi32>
    %lt3A_938 = arith.constant 32768 : i32
    %lt3A_939 = vector.broadcast %lt3A_938 : i32 to vector<64x256xi32>
    %lt3A_940 = arith.cmpi slt, %min3A_937, %lt3A_939 : vector<64x256xi32>
    %jit3A_941 = arith.constant -1 : i32
    %broadcast_in_dim3A_942 = vector.broadcast %jit3A_941 : i32 to vector<64x256xi32>
    %select_n3A_943 = arith.select %lt3A_940, %min3A_937, %broadcast_in_dim3A_942 : vector<64x256xi1>, vector<64x256xi32>
    %swap3A_944 = arith.constant 0 : index
    %swap3A_945 = arith.constant 8 : index
    %swap3A_946 = arith.constant 0 : index
    %swap3A_947 = arith.constant 0 : index
    %swap3A_948 = arith.constant 0 : index
    %swap3A_949 = vector.load %arg8[%swap3A_944, %swap3A_945, %swap3A_946, %swap3A_947, %swap3A_948] : memref<2x9x1x64x256xi32, #tpu.memory_space<vmem>>, vector<1x1x1x64x256xi32>
    %swap3A_950 = vector.shape_cast %swap3A_949 : vector<1x1x1x64x256xi32> to vector<64x256xi32>
    %swap3A_951 = vector.shape_cast %select_n3A_943 : vector<64x256xi32> to vector<1x1x1x64x256xi32>
    tpu.vector_store %arg8[%swap3A_944, %swap3A_945, %swap3A_946, %swap3A_947, %swap3A_948], %swap3A_951 {strides = array<i32>} : memref<2x9x1x64x256xi32, #tpu.memory_space<vmem>>, vector<1x1x1x64x256xi32>,
    %ge3A_952 = arith.constant 32768 : i32
    %ge3A_953 = vector.broadcast %ge3A_952 : i32 to vector<64x256xi32>
    %ge3A_954 = arith.cmpi sge, %min3A_937, %ge3A_953 : vector<64x256xi32>
    %sub3A_955 = arith.constant 32768 : i32
    %sub3A_956 = vector.broadcast %sub3A_955 : i32 to vector<64x256xi32>
    %sub3A_957 = arith.subi %min3A_937, %sub3A_956 : vector<64x256xi32>
    %jit3A_958 = arith.constant -1 : i32
    %broadcast_in_dim3A_959 = vector.broadcast %jit3A_958 : i32 to vector<64x256xi32>
    %select_n3A_960 = arith.select %ge3A_954, %sub3A_957, %broadcast_in_dim3A_959 : vector<64x256xi1>, vector<64x256xi32>
    %swap3A_961 = arith.constant 1 : index
    %swap3A_962 = arith.constant 8 : index
    %swap3A_963 = arith.constant 0 : index
    %swap3A_964 = arith.constant 0 : index
    %swap3A_965 = arith.constant 0 : index
    %swap3A_966 = vector.load %arg8[%swap3A_961, %swap3A_962, %swap3A_963, %swap3A_964, %swap3A_965] : memref<2x9x1x64x256xi32, #tpu.memory_space<vmem>>, vector<1x1x1x64x256xi32>
    %swap3A_967 = vector.shape_cast %swap3A_966 : vector<1x1x1x64x256xi32> to vector<64x256xi32>
    %swap3A_968 = vector.shape_cast %select_n3A_960 : vector<64x256xi32> to vector<1x1x1x64x256xi32>
    tpu.vector_store %arg8[%swap3A_961, %swap3A_962, %swap3A_963, %swap3A_964, %swap3A_965], %swap3A_968 {strides = array<i32>} : memref<2x9x1x64x256xi32, #tpu.memory_space<vmem>>, vector<1x1x1x64x256xi32>,
    return
  }
  func.func @transform_0(%arg0: i32, %arg1: i32) -> (i32, i32, i32, i32, i32) {
    %c0_i32 = arith.constant 0 : i32
    %c0_i32_0 = arith.constant 0 : i32
    %c0_i32_1 = arith.constant 0 : i32
    %c0_i32_2 = arith.constant 0 : i32
    return %c0_i32, %c0_i32_0, %arg0, %arg1, %c0_i32_1 : i32, i32, i32, i32, i32
  }
  func.func @transform_1(%arg0: i32, %arg1: i32) -> (i32, i32, i32, i32, i32) {
    %c0_i32 = arith.constant 0 : i32
    %c0_i32_0 = arith.constant 0 : i32
    %c0_i32_1 = arith.constant 0 : i32
    %c0_i32_2 = arith.constant 0 : i32
    return %c0_i32, %c0_i32_0, %arg0, %arg1, %c0_i32_1 : i32, i32, i32, i32, i32
  }
  func.func @transform_2(%arg0: i32, %arg1: i32) -> (i32, i32, i32, i32, i32) {
    %c0_i32 = arith.constant 0 : i32
    %c0_i32_0 = arith.constant 0 : i32
    %c0_i32_1 = arith.constant 0 : i32
    %c0_i32_2 = arith.constant 0 : i32
    return %c0_i32, %c0_i32_0, %arg0, %arg1, %c0_i32_1 : i32, i32, i32, i32, i32
  }
  func.func @transform_3(%arg0: i32, %arg1: i32) -> (i32, i32, i32) {
    %c0_i32 = arith.constant 0 : i32
    %c0_i32_0 = arith.constant 0 : i32
    return %arg0, %arg1, %c0_i32 : i32, i32, i32
  }
  func.func @transform_4(%arg0: i32, %arg1: i32) -> (i32, i32) {
    %c0_i32 = arith.constant 0 : i32
    %c0_i32_0 = arith.constant 0 : i32
    return %arg1, %c0_i32 : i32, i32
  }
  func.func @transform_5(%arg0: i32, %arg1: i32) -> (i32, i32, i32, i32) {
    %c0_i32 = arith.constant 0 : i32
    %c0_i32_0 = arith.constant 0 : i32
    %c0_i32_1 = arith.constant 0 : i32
    return %c0_i32, %arg0, %arg1, %c0_i32_0 : i32, i32, i32, i32
  }
  func.func @transform_6(%arg0: i32, %arg1: i32) -> (i32, i32, i32, i32, i32) {
    %c0_i32 = arith.constant 0 : i32
    %c0_i32_0 = arith.constant 0 : i32
    %c0_i32_1 = arith.constant 0 : i32
    %c0_i32_2 = arith.constant 0 : i32
    return %c0_i32, %c0_i32_0, %arg0, %arg1, %c0_i32_1 : i32, i32, i32, i32, i32
  }
}

module attributes {stable_mosaic.version = 14 : i64} {
  func.func @_phase3_body(%arg0: i32, %arg1: i32, %arg2: memref<2x1x4096x4xf32, #tpu.memory_space<vmem>>, %arg3: memref<4096x4xf32, #tpu.memory_space<vmem>>) attributes {dimension_semantics = [#tpu.dimension_semantics<arbitrary>, #tpu.dimension_semantics<arbitrary>], iteration_bounds = array<i64: 2, 8>, scalar_prefetch = 0 : i64, scratch_operands = 0 : i64, tpu.core_type = #tpu.core_type<tc>, window_params = [{transform_indices = @transform_0, window_bounds = array<i64: 2, 1, 4096, 4>}, {transform_indices = @transform_1, window_bounds = array<i64: 4096, 4>}]} {
    %get3A = arith.constant 0 : index
    %get3A_0 = arith.constant 0 : index
    %get3A_1 = arith.constant 0 : index
    %get3A_2 = arith.constant 0 : index
    %get3A_3 = vector.load %arg2[%get3A, %get3A_0, %get3A_1, %get3A_2] : memref<2x1x4096x4xf32, #tpu.memory_space<vmem>>, vector<1x1x4096x4xf32>
    %get3A_4 = vector.shape_cast %get3A_3 : vector<1x1x4096x4xf32> to vector<4096x4xf32>
    %get3A_5 = arith.constant 1 : index
    %get3A_6 = arith.constant 0 : index
    %get3A_7 = arith.constant 0 : index
    %get3A_8 = arith.constant 0 : index
    %get3A_9 = vector.load %arg2[%get3A_5, %get3A_6, %get3A_7, %get3A_8] : memref<2x1x4096x4xf32, #tpu.memory_space<vmem>>, vector<1x1x4096x4xf32>
    %get3A_10 = vector.shape_cast %get3A_9 : vector<1x1x4096x4xf32> to vector<4096x4xf32>
    %add3A = arith.addf %get3A_4, %get3A_10 : vector<4096x4xf32>
    %swap3A = arith.constant 0 : index
    %swap3A_11 = arith.constant 0 : index
    %swap3A_12 = vector.load %arg3[%swap3A, %swap3A_11] : memref<4096x4xf32, #tpu.memory_space<vmem>>, vector<4096x4xf32>
    tpu.vector_store %arg3[%swap3A, %swap3A_11], %add3A {strides = array<i32>} : memref<4096x4xf32, #tpu.memory_space<vmem>>, vector<4096x4xf32>,
    return
  }
  func.func @transform_0(%arg0: i32, %arg1: i32) -> (i32, i32, i32, i32) {
    %c0_i32 = arith.constant 0 : i32
    %c0_i32_0 = arith.constant 0 : i32
    %c0_i32_1 = arith.constant 0 : i32
    return %c0_i32, %arg0, %arg1, %c0_i32_0 : i32, i32, i32, i32
  }
  func.func @transform_1(%arg0: i32, %arg1: i32) -> (i32, i32) {
    %mul3A = arith.constant 8 : i32
    %mul3A_0 = arith.muli %arg0, %mul3A : i32
    %add3A = arith.addi %mul3A_0, %arg1 : i32
    %c0_i32 = arith.constant 0 : i32
    %c0_i32_1 = arith.constant 0 : i32
    return %add3A, %c0_i32 : i32, i32
  }
}

</mosaic_0001>

<sc_bundles>
// kernel: kernel.5.cloned.1.call-start
scs
__scs_entry_jumppad:
0x0: {  	(pc) =	sbr.rel $0x88, $3  }
0x1: {  	(tag) =	ssettag $0x0;
	lr =	simm.s32 $0x1  }
0x2: {  	[smem:$0x3F9D] =	sst lr;
	_ =	strace $0xD0000000  }
0x3: {  	_ = 	snop  }
0x4: {  	_ = 	snop  }
0x5: {  	_ = 	snop  }
0x6: {  	_ = 	snop  }
0x7: {  	_ = 	snop  }
__scs_overlays_trampoline_lowered:
0x8: {  	[smem:$0x3FAC] =	sst s0  }
0x9: {  	[smem:$0x3FAD] =	sst s1  }
0xa: {  	[smem:$0x3FAE] =	sst s2  }
0xb: {  	[smem:$0x3FAF] =	sst s3  }
0xc: {  	[smem:$0x3FB0] =	sst s4  }
0xd: {  	[smem:$0x3FB1] =	sst s5  }
0xe: {  	[smem:$0x3FB2] =	sst s6  }
0xf: {  	[smem:$0x3FB3] =	sst s7  }
0x10: {  	[smem:$0x3FB4] =	sst s8  }
0x11: {  	[smem:$0x3FB5] =	sst s9;
	s0 =	simm.s32 @!p0 $0x0  }
0x12: {  	s1 =	sld [smem:$0x3F9B];
	s0 =	simm.s32 @p0 $0x1  }
0x13: {  	[smem:$0x3FB6] =	sst s0;
	s0 =	simm.s32 @!p1 $0x0  }
0x14: {  	s2 =	sld [smem:$0x3F9A];
	s0 =	simm.s32 @p1 $0x1  }
0x15: {  	[smem:$0x3FB7] =	sst s0;
	s0 =	simm.s32 @!p2 $0x0  }
0x16: {  	s3 =	sld [smem:$0x3FDB];
	s0 =	simm.s32 @p2 $0x1  }
0x17: {  	s4 =	simm.s32 $0x1BF5;
	[smem:$0x3FB9] =	sst s0  }
0x18: {  	s0 =	sld [smem:$0x3F9C];
	_ =	swait.ge [sflag:s4], $0x0  }
0x19: {  	s7 =	sld [smem:$0x3F9D]  }
0x1a: {  	s8 =	sadd.s32 $0xFFFFE003, lr  }
0x1b: {  	s9 =	sadd.s32 $0xFFFFFEF7, lr;
	s5 =	simm.s32 $0xFFFFFFFF;
	p2 =	slt.u32 s8, $0xFFFFF086  }
0x1c: {  	p1 =	slt.u32 s9, $0xF7A;
	s5 =	simm.s32 @!p2 $0x0  }
0x1d: {  	s5 =	simm.s32 @p1 $0x1;
	p0 =	seq.s32 s7, s2  }
0x1e: {  	s7 =	smul.u32 @!p0 $0xF7A, s2;
	p2 =	seq.s32 @!p0 s5, $0x0  }
0x1f: {  	s9 =	smul.u32 $0xF7A, s1;
	s8 =	simm.s32 @!p0 $0x1BF5;
	p2 =	por !p2, p0  }
0x20: {  	[sflag:s8] =	ssyncset.s32 @!p0 $0xFFFFF086;
	s6 =	sadd.s32 @!p0 s3, s7;
	s7 =	simm.s32 @!p0 $0x108  }
0x21: {  	s3 =	sadd.s32 s3, s9;
	s6 =	sadd.s32 @!p0 $0x88, s6;
	s7 =	simm.s32 @p2 $0x1082  }
0x22: {  	[simem:s7], [sflag:s8] =	dma.local @!p0 [hbm:s6], $0xF7A  }
0x23: {  	s9 =	sor.u32 $0xD0000000, s2;
	s6 =	simm.s32 $0x108;
	_ =	swait.ge @!p0 [sflag:s8], $0x0  }
0x24: {  	s3 =	sadd.s32 $0x88, s3;
	s6 =	simm.s32 @!p1 $0x1082;
	[sflag:s4] =	ssyncset.s32 $0xFFFFF086  }
0x25: {  	[simem:s6], [sflag:s4] =	dma.local [hbm:s3], $0xF7A  }
0x26: {  	[smem:$0x3F9D] =	sst s1;
	(tag) =	ssettag s2;
	_ =	strace s9  }
0x27: {  	s1 =	sld [smem:$0x3FAD]  }
0x28: {  	s2 =	sld [smem:$0x3FAE]  }
0x29: {  	s4 =	sld [smem:$0x3FB0]  }
0x2a: {  	p0 =	seq.s32 s5, $0x0;
	s5 =	sld [smem:$0x3FB1]  }
0x2b: {  	s6 =	sld [smem:$0x3FB2]  }
0x2c: {  	s7 =	sld [smem:$0x3FB3]  }
0x2d: {  	s3 =	simm.s32 $0x108;
	s8 =	sld [smem:$0x3FB4]  }
0x2e: {  	s3 =	simm.s32 @!p0 $0x1082;
	s9 =	sld [smem:$0x3FB5]  }
0x2f: {  	lr =	sadd.s32 s0, s3;
	s0 =	sld [smem:$0x3FAC]  }
0x30: {  	s3 =	sld [smem:$0x3FAF]  }
0x31: {  	[smem:$0x3FB8] =	sst s10  }
0x32: {  	s10 =	sld [smem:$0x3FB6];
	_ =	sdelay $0x3  }
0x33: {  	p0 =	seq.s32 s10, $0x1;
	s10 =	sld [smem:$0x3FB8];
	_ =	sdelay $0x3  }
0x34: {  	[smem:$0x3FB8] =	sst s10  }
0x35: {  	s10 =	sld [smem:$0x3FB7];
	_ =	sdelay $0x3  }
0x36: {  	p1 =	seq.s32 s10, $0x1;
	s10 =	sld [smem:$0x3FB8];
	_ =	sdelay $0x3  }
0x37: {  	[smem:$0x3FB8] =	sst s10  }
0x38: {  	s10 =	sld [smem:$0x3FB9]  }
0x39: {  	_ = 	snop;
	(pc) =	sbr.ind lr, $3  }
0x3a: {  	_ = 	snop  }
0x3b: {  	_ = 	snop  }
0x3c: {  	p2 =	seq.s32 s10, $0x1;
	s10 =	sld [smem:$0x3FB8]  }
0x3d: {  	_ =	shalt  }
0x3e: {  	_ =	shalt  }
0x3f: {  	_ =	shalt  }
0x40: {  	_ =	shalt  }
0x41: {  	_ =	shalt  }
0x42: {  	_ =	shalt  }
0x43: {  	_ =	shalt  }
0x44: {  	_ =	shalt  }
0x45: {  	_ =	shalt  }
0x46: {  	_ =	shalt  }
0x47: {  	_ =	shalt  }
0x48: {  	_ =	shalt  }
0x49: {  	_ =	shalt  }
0x4a: {  	_ =	shalt  }
0x4b: {  	_ =	shalt  }
0x4c: {  	_ =	shalt  }
0x4d: {  	_ =	shalt  }
0x4e: {  	_ =	shalt  }
0x4f: {  	_ =	shalt  }
0x50: {  	_ =	shalt  }
0x51: {  	_ =	shalt  }
0x52: {  	_ =	shalt  }
0x53: {  	_ =	shalt  }
0x54: {  	_ =	shalt  }
0x55: {  	_ =	shalt  }
0x56: {  	_ =	shalt  }
0x57: {  	_ =	shalt  }
0x58: {  	_ =	shalt  }
0x59: {  	_ =	shalt  }
0x5a: {  	_ =	shalt  }
0x5b: {  	_ =	shalt  }
0x5c: {  	_ =	shalt  }
0x5d: {  	_ =	shalt  }
0x5e: {  	_ =	shalt  }
0x5f: {  	_ =	shalt  }
0x60: {  	_ =	shalt  }
0x61: {  	_ =	shalt  }
0x62: {  	_ =	shalt  }
0x63: {  	_ =	shalt  }
0x64: {  	_ =	shalt  }
0x65: {  	_ =	shalt  }
0x66: {  	_ =	shalt  }
0x67: {  	_ =	shalt  }
0x68: {  	_ =	shalt  }
0x69: {  	_ =	shalt  }
0x6a: {  	_ =	shalt  }
0x6b: {  	_ =	shalt  }
0x6c: {  	_ =	shalt  }
0x6d: {  	_ =	shalt  }
0x6e: {  	_ =	shalt  }
0x6f: {  	_ =	shalt  }
0x70: {  	_ =	shalt  }
0x71: {  	_ =	shalt  }
0x72: {  	_ =	shalt  }
0x73: {  	_ =	shalt  }
0x74: {  	_ =	shalt  }
0x75: {  	_ =	shalt  }
0x76: {  	_ =	shalt  }
0x77: {  	_ =	shalt  }
0x78: {  	_ =	shalt  }
0x79: {  	_ =	shalt  }
0x7a: {  	_ =	shalt  }
0x7b: {  	_ =	shalt  }
0x7c: {  	_ =	shalt  }
0x7d: {  	_ =	shalt  }
0x7e: {  	_ =	shalt  }
0x7f: {  	_ =	shalt  }
0x80: {  	_ =	shalt  }
0x81: {  	_ =	shalt  }
0x82: {  	_ =	shalt  }
0x83: {  	_ =	shalt  }
0x84: {  	_ =	shalt  }
0x85: {  	_ =	shalt  }
0x86: {  	_ =	shalt  }
0x87: {  	_ =	shalt  }
.Lfunc_end0:
.L_simem_size_0:
called_computation_lowered:
.L_overlay_start_0:
0x88: {  	s2 =	sld [smem:$0x3FD9]  }
0x89: {  	s3 =	sld [smem:$0x3FFE];
	_ =	sdelay $0x1  }
0x8a: {  	s1 =	srdreg.scid  }
0x8b: {  	s0 =	sand.u32 $0x1, s1  }
0x8c: {  	s17 =	sshll.u32 s0, $0xA;
	s2 =	sadd.s32 s3, s2  }
0x8d: {  	s2 =	sadd.s32 s2, s17  }
0x8e: {  	[smem:$0x3FC4] =	sst s2  }
0x8f: {  	_ = 	snop  }
0x90: {  	s2 =	sld [smem:$0x3FD0];
	(tm) =	ssettm $0x1  }
0x91: {  	s18 =	sld [smem:$0x3FFB];
	_ =	sdelay $0x3  }
0x92: {  	_ =	strace s18  }
0x93: {  	s3 =	sld [smem:$0x3FFC];
	_ =	sdelay $0x3  }
0x94: {  	_ =	strace s3  }
0x95: {  	s3 =	sld [smem:$0x3FFD];
	_ =	sdelay $0x3  }
0x96: {  	_ =	strace s3  }
0x97: {  	_ =	strace $0x8FFFFFFF  }
0x98: {  	s19 =	sld [smem:$0x3FDB];
	_ =	sdelay $0x1  }
0x99: {  	s4 =	simm.s32 $_scs_section_size  }
0x9a: {  	s5 =	simm.s32 $_size__tile_overlayer_lowered;
	s6 =	simm.s32 $_tile_overlayer_lowered  }
0x9b: {  	s22 =	simm.s32 $0x1BFF;
	s21 =	sshll.u32 s6, $0x1;
	s3 =	sadd.s32 s4, s19  }
0x9c: {  	s7 =	simm.s32 $0x0;
	s20 =	sshll.u32 s5, $0x1;
	s5 =	sadd.s32 s21, s3  }
0x9d: {  	[timem:s7], [sflag:s22] =	dma.local [hbm:s5], s20  }
0x9e: {  	_ =	swait.ge [sflag:s22], s20  }
0x9f: {  	s4 =	ssub.s32 $0x0, s20;
	[sflag:s22] =	ssyncset.done $0x0  }
0xa0: {  	[sflag:s22] =	ssyncadd.s32 s4;
	_ =	sdelay $0x1  }
0xa1: {  	s23 =	simm.s32 $0x1B8B  }
0xa2: {  	_ =	swait.ge [sflag:s23], $0x1  }
0xa3: {  	[sflag:s23] =	ssyncset.done $0x0  }
0xa4: {  	s25 =	simm.s32 $0x1B8E;
	s24 =	sld [smem:$0x3FFE];
	[sflag:s23] =	ssyncadd.s32 $0xFFFFFFFF  }
0xa5: {  	s26 =	simm.s32 $execute0_lowered;
	[smem:$0x3FD2] =	sst s25  }
0xa6: {  	s5 =	sshll.u32 s26, $0x1;
	_ =	strace $0x80000046;
	[dreg:$0x1] =	wrdreg $0xFFFFFFFF  }
0xa7: {  	s28 =	simm.s32 $_size_execute0_lowered;
	s3 =	sadd.s32 s3, s5;
	[dreg:$0x0] =	wrdreg $0x0  }
0xa8: {  	s5 =	sshll.u32 s28, $0x1;
	[dreg:$0x2] =	wrdreg s3  }
0xa9: {  	[dreg:$0x3] =	wrdreg s5  }
0xaa: {  	[dreg:$0x4] =	wrdreg $0xC0  }
0xab: {  	_ =	task [dreg:s7], $0x5FFFF  }
0xac: {  	[dreg:$0x1] =	wrdreg $0xFFFFFFFF  }
0xad: {  	[dreg:$0x0] =	wrdreg $0x60  }
0xae: {  	[dreg:$0x2] =	wrdreg s24  }
0xaf: {  	[dreg:$0x3] =	wrdreg s2  }
0xb0: {  	[dreg:$0x4] =	wrdreg $0x28000  }
0xb1: {  	[dreg:$0x5] =	wrdreg $0x48000  }
0xb2: {  	[dreg:$0x6] =	wrdreg $0x9  }
0xb3: {  	_ =	task.clear_ibuf [dreg:s7], $0x7FFFF;
	_ =	strace $0x90000046  }
0xb4: {  	s29 =	simm.s32 $0x9;
	_ =	strace $0x80000048  }
0xb5: {  	_ =	swait.ge [sflag:s29], $0x1  }
0xb6: {  	[sflag:s29] =	ssyncadd.s32 $0xFFFFFFFF  }
0xb7: {  	_ =	strace $0x90000048  }
0xb8: {  	_ =	sfence  }
0xb9: {  	s30 =	sld [smem:$0x0];
	_ =	sdelay $0x2  }
0xba: {  	s31 =	sshll.u32 s1, $0xD;
	s1 =	sshrl.u32 s1, $0x2  }
0xbb: {  	s3 =	sand.u32 $0x4000, s31;
	s1 =	sadd.s32 s1, s30  }
0xbc: {  	s0 =	sor.u32 s3, s0;
	s1 =	sshll.u32 s1, $0x11  }
0xbd: {  	s0 =	sor.u32 s1, s0  }
0xbe: {  	s0 =	sadd.s32 $0x8F2B, s0  }
0xbf: {  	[sflag:s0] =	ssyncadd.remote.s32 $0x1  }
0xc0: {  	_ =	sfence.sel $0xFFFF  }
0xc1: {  	[dreg:$0x0] =	wrdreg $0xFFFFFFFF;
	(pc) =	sbr.abs _section_cstart, $3  }
0xc2: {  	[dreg:$0x1] =	wrdreg $0xFFFFFFFF  }
0xc3: {  	_ =	task.clear_ibuf [dreg:s7], $0x2FFFF;
	_ =	strace $0x9FFFFFFF  }
0xc4: {  	(tm) =	ssettm $0x7FFFFFFF  }
0xc5: {  	_ =	shalt  }
tec
execute0_lowered:
.L_overlay_start_1:
0x0: {  	(tag) =	ssettag $0x1  }
0x1: {  	s0 =	rddreg [dreg:$0x0]  }
0x2: {  	s3 =	rddreg [dreg:$0x1]  }
0x3: {  	s1 =	rddreg [dreg:$0x2]  }
0x4: {  	s2 =	rddreg [dreg:$0x3]  }
0x5: {  	s4 =	simm.s32 $0x0;
	s5 =	srdreg.scid;
	s13 =	stileid.u32  }
0x6: {  	s14 =	simm.s32 $0x400;
	s25 =	simm.s32 $0x480;
	s26 =	simm.s32 $0x100  }
0x7: {  	s28 =	simm.s32 $0x1C00;
	s29 =	simm.s32 $0x680;
	s30 =	simm.s32 $0x300  }
0x8: {  	s31 =	simm.s32 $0x2000;
	[smem:$0x7FF] =	sst s4;
	s6 =	smul.u32 $0x4800, s13  }
0x9: {  	s5 =	sand.u32 $0x1, s5;
	s7 =	sshll.u32 s13, $0xE;
	s9 =	smul.u32 $0x24000, s13  }
0xa: {  	s18 =	sshll.u32 s13, $0xB;
	s19 =	sshll.u32 s13, $0x6;
	_ =	strace $0x80000047  }
0xb: {  	s8 =	sshll.u32 s5, $0x13;
	s10 =	ssub.s32 $0x2, s5;
	s17 =	sadd.s32 s7, s1  }
0xc: {  	s12 =	smul.u32 $0x2400, s5;
	s3 =	sadd.s32 s3, s18;
	[dreg:$0x6] =	wrdreg s25  }
0xd: {  	s5 =	smul.u32 $0x12000, s5;
	s20 =	sadd.s32 s7, s2;
	[dreg:$0x7] =	wrdreg s26  }
0xe: {  	s18 =	simm.s32 $0x1000;
	s25 =	simm.s32 $0x600;
	s26 =	simm.s32 $0x280  }
0xf: {  	s8 =	sor.u32 s7, s8;
	s11 =	sadd.s32 s6, s0;
	s16 =	sshrl.u32 s10, $0x1  }
0x10: {  	s9 =	sadd.s32 s9, s0;
	[dreg:$0x8] =	wrdreg s3;
	s6 =	sor.u32 $0x1C01, s19  }
0x11: {  	s19 =	simm.s32 $0x500;
	s3 =	simm.s32 $0x380;
	s7 =	simm.s32 $0x2400  }
0x12: {  	s15 =	sshrl.u32 s8, $0x3;
	s8 =	ssub.s32 s10, s16;
	s22 =	sadd.s32 s12, s11  }
0x13: {  	s5 =	sadd.s32 s5, s9;
	s10 =	sshrl.u32 s17, $0x3;
	s12 =	simm.s32 $0x1  }
0x14: {  	s11 =	sshrl.u32 s20, $0x3;
	s16 =	simm.s32 $0x80;
	s17 =	simm.s32 $0xC00  }
0x15: {  	s20 =	simm.s32 $0x180;
	s9 =	simm.s32 $0x0;
	s0 =	sadd.s32 s15, s0  }
0x16: {  	s23 =	smax.u32 s8, $0x1;
	s24 =	sadd.s32 $0x241200, s5;
	[dreg:$0xd] =	wrdreg s11  }
0x17: {  	s15 =	simm.s32 $0x800;
	s8 =	simm.s32 $0x780;
	[dreg:$0xb] =	wrdreg s23  }
0x18: {  	s21 =	sadd.s32 $0x1200, s0;
	s0 =	sadd.s32 $0x9200, s0;
	[dreg:$0x5] =	wrdreg s24  }
0x19: {  	s23 =	simm.s32 $0x200;
	s24 =	simm.s32 $0x1800;
	[dreg:$0x9] =	wrdreg s21  }
0x1a: {  	[dreg:$0xa] =	wrdreg s0;
	s0 =	sadd.s32 $0x1F9200, s22;
	s21 =	simm.s32 $0x1400  }
0x1b: {  	s22 =	simm.s32 $0x580;
	[dreg:$0xc] =	wrdreg s0;
	s0 =	simm.s32 $0x700  }
.LBB2_1:
0x1c: {  	s5 =	rddreg [dreg:$0x8]  }
0x1d: {  	[spmem:s10], [sflag:s6] =	dma.local [hbm:s5], $0x800  }
0x1e: {  	_ =	swait.ge [sflag:s12], $0x800  }
0x1f: {  	[sflag:s12] =	ssyncset.done $0x0  }
0x20: {  	[sflag:s12] =	ssyncadd.s32 $0xFFFFF800  }
0x21: {  	[spmem:s11], [sflag:s6] =	dma.local [hbm:s5], $0x800  }
0x22: {  	_ =	swait.ge [sflag:s12], $0x800  }
0x23: {  	[sflag:s12] =	ssyncset.done $0x0  }
0x24: {  	[sflag:s12] =	ssyncadd.s32 $0xFFFFF800  }
0x25: {  	[bflag:$0x0] =	sbarrier.arrive $0xFFFF  }
0x26: {  	s13 =	smov.u32 s10;
	s5 =	simm.s32 $0x0;
	s10 =	rddreg [dreg:$0xc]  }
.LBB2_2:
0x27: {  	s11 =	sadd.s32 $0xFFFB8000, s10  }
0x28: {  	[tilespmem:s4], [sflag:$0x1] =	stream.linear.gather [hbm4b:s11+s4], $0x400, $0x38;
	[tilespmem:$0x6800] =	vst v63  }
0x29: {  	_ =	swait.ge [sflag:s12], $0x400  }
0x2a: {  	[sflag:s12] =	ssyncset.done $0x0  }
0x2b: {  	[sflag:s12] =	ssyncadd.s32 $0xFFFFFC00  }
0x2c: {  	[tilespmem:s14], [sflag:$0x1] =	stream.linear.gather [hbm4b:s10+s4], $0x400, $0x38;
	[tilespmem:$0x6800] =	vst v63  }
0x2d: {  	_ =	swait.ge [sflag:s12], $0x400  }
0x2e: {  	s11 =	rddreg [dreg:$0x5];
	[sflag:s12] =	ssyncset.done $0x0  }
0x2f: {  	[sflag:s12] =	ssyncadd.s32 $0xFFFFFC00;
	s11 =	sadd.s32 s5, s11  }
0x30: {  	[tilespmem:s15], [sflag:$0x1] =	stream.linear.gather [hbm4b:s11+s4], $0x2000, $0x38;
	[tilespmem:$0x6800] =	vst v63  }
0x31: {  	_ =	swait.ge [sflag:s12], $0x2000  }
0x32: {  	[sflag:s12] =	ssyncset.done $0x0  }
0x33: {  	[sflag:s12] =	ssyncadd.s32 $0xFFFFE000;
	(ifvalue) =	ssetifvalue $0xFFFFFFFF  }
0x34: {  	[spmem:s1] =	stream.indirect.scatter.add.f32 [tilespmem:s15], [sflag:$0x1], $0x4, s4, s16, $0x40b8;
	[tilespmem:$0x6800] =	vst v63  }
0x35: {  	_ =	swait.ge [sflag:s12], $0x200  }
0x36: {  	[sflag:s12] =	ssyncset.done $0x0  }
0x37: {  	[sflag:s12] =	ssyncadd.s32 $0xFFFFFE00;
	(ifvalue) =	ssetifvalue $0xFFFFFFFF  }
0x38: {  	[spmem:s2] =	stream.indirect.scatter.add.f32 [tilespmem:s15], [sflag:$0x1], $0x4, s14, s16, $0x40b8;
	[tilespmem:$0x6800] =	vst v63  }
0x39: {  	_ =	swait.ge [sflag:s12], $0x200  }
0x3a: {  	[sflag:s12] =	ssyncset.done $0x0  }
0x3b: {  	[sflag:s12] =	ssyncadd.s32 $0xFFFFFE00;
	(ifvalue) =	ssetifvalue $0xFFFFFFFF  }
0x3c: {  	[spmem:s1] =	stream.indirect.scatter.add.f32 [tilespmem:s17], [sflag:$0x1], $0x4, s16, s16, $0x40b8;
	[tilespmem:$0x6800] =	vst v63  }
0x3d: {  	_ =	swait.ge [sflag:s12], $0x200  }
0x3e: {  	[sflag:s12] =	ssyncset.done $0x0  }
0x3f: {  	[sflag:s12] =	ssyncadd.s32 $0xFFFFFE00;
	(ifvalue) =	ssetifvalue $0xFFFFFFFF;
	s11 =	rddreg [dreg:$0x6]  }
0x40: {  	[spmem:s2] =	stream.indirect.scatter.add.f32 [tilespmem:s17], [sflag:$0x1], $0x4, s11, s16, $0x40b8;
	[tilespmem:$0x6800] =	vst v63  }
0x41: {  	_ =	swait.ge [sflag:s12], $0x200  }
0x42: {  	[sflag:s12] =	ssyncset.done $0x0  }
0x43: {  	[sflag:s12] =	ssyncadd.s32 $0xFFFFFE00;
	(ifvalue) =	ssetifvalue $0xFFFFFFFF;
	s11 =	rddreg [dreg:$0x7]  }
0x44: {  	[spmem:s1] =	stream.indirect.scatter.add.f32 [tilespmem:s18], [sflag:$0x1], $0x4, s11, s16, $0x40b8;
	[tilespmem:$0x6800] =	vst v63  }
0x45: {  	_ =	swait.ge [sflag:s12], $0x200  }
0x46: {  	[sflag:s12] =	ssyncset.done $0x0  }
0x47: {  	[sflag:s12] =	ssyncadd.s32 $0xFFFFFE00;
	(ifvalue) =	ssetifvalue $0xFFFFFFFF  }
0x48: {  	[spmem:s2] =	stream.indirect.scatter.add.f32 [tilespmem:s18], [sflag:$0x1], $0x4, s19, s16, $0x40b8;
	[tilespmem:$0x6800] =	vst v63  }
0x49: {  	_ =	swait.ge [sflag:s12], $0x200  }
0x4a: {  	[sflag:s12] =	ssyncset.done $0x0  }
0x4b: {  	[sflag:s12] =	ssyncadd.s32 $0xFFFFFE00;
	(ifvalue) =	ssetifvalue $0xFFFFFFFF  }
0x4c: {  	[spmem:s1] =	stream.indirect.scatter.add.f32 [tilespmem:s21], [sflag:$0x1], $0x4, s20, s16, $0x40b8;
	[tilespmem:$0x6800] =	vst v63  }
0x4d: {  	_ =	swait.ge [sflag:s12], $0x200  }
0x4e: {  	[sflag:s12] =	ssyncset.done $0x0  }
0x4f: {  	[sflag:s12] =	ssyncadd.s32 $0xFFFFFE00;
	(ifvalue) =	ssetifvalue $0xFFFFFFFF  }
0x50: {  	[spmem:s2] =	stream.indirect.scatter.add.f32 [tilespmem:s21], [sflag:$0x1], $0x4, s22, s16, $0x40b8;
	[tilespmem:$0x6800] =	vst v63  }
0x51: {  	_ =	swait.ge [sflag:s12], $0x200  }
0x52: {  	[sflag:s12] =	ssyncset.done $0x0  }
0x53: {  	[sflag:s12] =	ssyncadd.s32 $0xFFFFFE00;
	(ifvalue) =	ssetifvalue $0xFFFFFFFF  }
0x54: {  	[spmem:s1] =	stream.indirect.scatter.add.f32 [tilespmem:s24], [sflag:$0x1], $0x4, s23, s16, $0x40b8;
	[tilespmem:$0x6800] =	vst v63  }
0x55: {  	_ =	swait.ge [sflag:s12], $0x200  }
0x56: {  	[sflag:s12] =	ssyncset.done $0x0  }
0x57: {  	[sflag:s12] =	ssyncadd.s32 $0xFFFFFE00;
	(ifvalue) =	ssetifvalue $0xFFFFFFFF  }
0x58: {  	[spmem:s2] =	stream.indirect.scatter.add.f32 [tilespmem:s24], [sflag:$0x1], $0x4, s25, s16, $0x40b8;
	[tilespmem:$0x6800] =	vst v63  }
0x59: {  	_ =	swait.ge [sflag:s12], $0x200  }
0x5a: {  	[sflag:s12] =	ssyncset.done $0x0  }
0x5b: {  	[sflag:s12] =	ssyncadd.s32 $0xFFFFFE00;
	(ifvalue) =	ssetifvalue $0xFFFFFFFF  }
0x5c: {  	[spmem:s1] =	stream.indirect.scatter.add.f32 [tilespmem:s28], [sflag:$0x1], $0x4, s26, s16, $0x40b8;
	[tilespmem:$0x6800] =	vst v63  }
0x5d: {  	_ =	swait.ge [sflag:s12], $0x200  }
0x5e: {  	[sflag:s12] =	ssyncset.done $0x0  }
0x5f: {  	[sflag:s12] =	ssyncadd.s32 $0xFFFFFE00;
	(ifvalue) =	ssetifvalue $0xFFFFFFFF  }
0x60: {  	[spmem:s2] =	stream.indirect.scatter.add.f32 [tilespmem:s28], [sflag:$0x1], $0x4, s29, s16, $0x40b8;
	[tilespmem:$0x6800] =	vst v63  }
0x61: {  	_ =	swait.ge [sflag:s12], $0x200  }
0x62: {  	[sflag:s12] =	ssyncset.done $0x0  }
0x63: {  	[sflag:s12] =	ssyncadd.s32 $0xFFFFFE00;
	(ifvalue) =	ssetifvalue $0xFFFFFFFF  }
0x64: {  	[spmem:s1] =	stream.indirect.scatter.add.f32 [tilespmem:s31], [sflag:$0x1], $0x4, s30, s16, $0x40b8;
	[tilespmem:$0x6800] =	vst v63  }
0x65: {  	_ =	swait.ge [sflag:s12], $0x200  }
0x66: {  	[sflag:s12] =	ssyncset.done $0x0  }
0x67: {  	[sflag:s12] =	ssyncadd.s32 $0xFFFFFE00;
	(ifvalue) =	ssetifvalue $0xFFFFFFFF  }
0x68: {  	[spmem:s2] =	stream.indirect.scatter.add.f32 [tilespmem:s31], [sflag:$0x1], $0x4, s0, s16, $0x40b8;
	[tilespmem:$0x6800] =	vst v63  }
0x69: {  	_ =	swait.ge [sflag:s12], $0x200  }
0x6a: {  	[sflag:s12] =	ssyncset.done $0x0  }
0x6b: {  	[sflag:s12] =	ssyncadd.s32 $0xFFFFFE00;
	(ifvalue) =	ssetifvalue $0xFFFFFFFF  }
0x6c: {  	[spmem:s1] =	stream.indirect.scatter.add.f32 [tilespmem:s7], [sflag:$0x1], $0x4, s3, s16, $0x40b8;
	[tilespmem:$0x6800] =	vst v63  }
0x6d: {  	_ =	swait.ge [sflag:s12], $0x200  }
0x6e: {  	p0 =	sne.s32 s5, $0x11C00;
	[sflag:s12] =	ssyncset.done $0x0  }
.Ltmp0:
0x6f: {  	[sflag:s12] =	ssyncadd.s32 $0xFFFFFE00;
	(ifvalue) =	ssetifvalue $0xFFFFFFFF;
	(pc) =	sbr.rel @p0 .LBB2_2-.Ltmp0, $4  }
0x70: {  	[spmem:s2] =	stream.indirect.scatter.add.f32 [tilespmem:s7], [sflag:$0x1], $0x4, s8, s16, $0x40b8;
	[tilespmem:$0x6800] =	vst v63  }
0x71: {  	_ =	swait.ge [sflag:s12], $0x200  }
0x72: {  	[sflag:s12] =	ssyncset.done $0x0  }
0x73: {  	s10 =	sadd.s32 $0x80, s10;
	s5 =	sadd.s32 $0x400, s5;
	[sflag:s12] =	ssyncadd.s32 $0xFFFFFE00  }
0x74: {  	[bflag:$0x0] =	sbarrier.arrive $0xFFFF  }
0x75: {  	s5 =	rddreg [dreg:$0x9]  }
0x76: {  	[hbm:s5], [sflag:s6] =	dma.local [spmem:s13], $0x800  }
0x77: {  	_ =	swait.ge [sflag:s12], $0x800  }
0x78: {  	s10 =	smov.u32 s13;
	[sflag:s12] =	ssyncset.done $0x0;
	s13 =	rddreg [dreg:$0xa]  }
0x79: {  	s11 =	rddreg [dreg:$0xd];
	[sflag:s12] =	ssyncadd.s32 $0xFFFFF800  }
0x7a: {  	[hbm:s13], [sflag:s6] =	dma.local [spmem:s11], $0x800  }
0x7b: {  	_ =	swait.ge [sflag:s12], $0x800  }
0x7c: {  	s9 =	sadd.s32 $0x1, s9;
	s13 =	rddreg [dreg:$0xb]  }
0x7d: {  	p0 =	sne.s32 s9, s13  }
.Ltmp1:
0x7e: {  	_ = 	snop;
	(pc) =	sbr.rel @p0 .LBB2_1-.Ltmp1, $3  }
0x7f: {  	_ =	sdelay $0x1  }
0x80: {  	[sflag:s12] =	ssyncset.done $0x0  }
0x81: {  	[sflag:s12] =	ssyncadd.s32 $0xFFFFF800  }
0x82: {  	_ =	sfence.sel $0x180000  }
0x83: {  	[bflag:$0x0] =	sbarrier.arrive $0xFFFF  }
0x84: {  	_ =	strace $0x90000047  }
0x85: {  	s0 =	stileid.u32;
	[bflag:$0x2] =	sbarrier.arrive $0xFFFF  }
0x86: {  	p0 =	sne.s32 s0, $0x0;
	s0 =	rddreg [dreg:$0x4]  }
0x87: {  	s0 =	sadd.s32 @!p0 $0x100000, s0  }
0x88: {  	[sflag:s0] =	ssyncadd.tile.s32 @!p0 $0x1;
	_ =	shalt  }
.Lfunc_end2:
_tile_overlayer_lowered:
.L_overlay_start_2:
0x89: {  	(tag) =	ssettag $0x2  }
0x8a: {  	s0 =	rddreg [dreg:$0x0];
	s2 =	stileid.u32  }
0x8b: {  	s1 =	rddreg [dreg:$0x1];
	p0 =	sne.s32 s2, $0x0  }
0x8c: {  	s3 =	rddreg [dreg:$0x2];
	[bflag:$0x3] =	sbarrier.arrive $0xFFFF;
	s2 =	simm.s32 @!p0 $0x1C01  }
0x8d: {  	[timem:s3], [sflag:s2] =	dma.local @!p0 [hbm:s0], s1  }
0x8e: {  	s0 =	simm.s32 @!p0 $0x1  }
0x8f: {  	_ =	swait.ge @!p0 [sflag:s0], s1  }
0x90: {  	s1 =	ssub.s32 @!p0 $0x0, s1;
	[sflag:s0] =	ssyncset.done @!p0 $0x0  }
0x91: {  	[sflag:s0] =	ssyncadd.s32 @!p0 s1  }
0x92: {  	[bflag:$0x3] =	sbarrier.arrive $0xFFFF  }
0x93: {  	_ =	shalt  }

</sc_bundles>
